<compile_context>
chip_gen: v7x
topology: tpu7x:2x2x1
jax: 0.10.2.dev20260603
libtpu: 0.0.44.dev20260713+nightly
codegen_flags: <defaults>
</compile_context>

<pallas_src>
import dataclasses
import functools

import jax
import jax.numpy as jnp
from jax import lax
from jax.experimental import pallas as pl
from jax.experimental.pallas import tpu as pltpu
from jax.experimental.pallas import tpu_sc as plsc

N = 10000
D = 128
NC = 2
NS = 16
NW = NC * NS
EB = 128
KPW = 80
IC = 40
NBLK = NW * KPW
EPAD = NBLK * EB
NPAD = 10240
ZR = NPAD // NS
TRASH = N
RB = 2000

_mesh = plsc.VectorSubcoreMesh(core_axis_name="c", subcore_axis_name="s")


def _sc_degree(dst2d):
    cp = pltpu.CompilerParams()
    if "needs_layout_passes" in pltpu.CompilerParams.__dataclass_fields__:
        cp = dataclasses.replace(cp, needs_layout_passes=False)

    @functools.partial(
        pl.kernel,
        out_type=jax.ShapeDtypeStruct((NC, NPAD), jnp.float32),
        mesh=_mesh,
        compiler_params=cp,
        scratch_types=[
            pltpu.VMEM((KPW, EB), jnp.int32),
            pltpu.VMEM((NPAD,), jnp.float32),
            pltpu.VMEM((ZR,), jnp.float32),
            pltpu.VMEM((ZR,), jnp.float32),
            pltpu.VMEM_SHARED((NS, NPAD), jnp.float32),
        ],
    )
    def deg_kernel(dst_hbm, out_hbm, dst_v, hist_v, tmp_v, sum_v, stage):
        cid = lax.axis_index("c")
        sid = lax.axis_index("s")
        wid = sid * NC + cid
        pltpu.sync_copy(dst_hbm.at[pl.ds(wid * KPW, KPW)], dst_v)
        zeros = jnp.zeros((16,), jnp.float32)
        ones = jnp.ones((16,), jnp.float32)

        @pl.loop(0, NPAD // 16)
        def _(k):
            hist_v[pl.ds(k * 16, 16)] = zeros

        @pl.loop(0, KPW)
        def _(j):
            for k in range(EB // 16):
                idx = dst_v[j, pl.ds(k * 16, 16)]
                plsc.addupdate_scatter(hist_v, [idx], ones)

        pltpu.sync_copy(hist_v, stage.at[sid])
        plsc.subcore_barrier()

        @pl.loop(0, ZR // 16)
        def _(k):
            sum_v[pl.ds(k * 16, 16)] = zeros

        @pl.loop(0, NS)
        def _(r):
            pltpu.sync_copy(stage.at[r, pl.ds(sid * ZR, ZR)], tmp_v)

            @pl.loop(0, ZR // 16)
            def _(k):
                sl = pl.ds(k * 16, 16)
                sum_v[sl] = sum_v[sl] + tmp_v[sl]

        pltpu.sync_copy(sum_v, out_hbm.at[cid, pl.ds(sid * ZR, ZR)])

    return deg_kernel(dst2d)


NSUB = 2
SB = EB // NSUB


def _gather_block(g_hbm, src_v, rows, sems, b, j):
    for s in range(NSUB):
        pltpu.make_async_copy(
            g_hbm.at[src_v.at[j, pl.ds(s * SB, SB)]],
            rows[b].at[pl.ds(s * SB, SB)],
            sems[b]).start()


def _gather_block_wait(g_hbm, src_v, rows, sems, b, j):
    for s in range(NSUB):
        pltpu.make_async_copy(
            g_hbm.at[src_v.at[j, pl.ds(s * SB, SB)]],
            rows[b].at[pl.ds(s * SB, SB)],
            sems[b]).wait()


def _sc_aggregate(g, src2d, dst2d, zeros128):

    @functools.partial(
        pl.kernel,
        out_type=jax.ShapeDtypeStruct((NC, NPAD, D), jnp.float32),
        mesh=_mesh,
        scratch_types=[
            pltpu.VMEM((IC, EB), jnp.int32),
            pltpu.VMEM((IC, EB), jnp.int32),
            pltpu.VMEM((EB, D), jnp.float32),
            pltpu.VMEM((EB, D), jnp.float32),
            pltpu.VMEM_SHARED((NPAD, D), jnp.float32),
            pltpu.SemaphoreType.DMA,
            pltpu.SemaphoreType.DMA,
        ],
    )
    def agg_kernel(g_hbm, src_hbm, dst_hbm, z_hbm, out_hbm,
                   src_v, dst_v, rows0_v, rows1_v, acc, sem0, sem1):
        cid = lax.axis_index("c")
        sid = lax.axis_index("s")
        wid = sid * NC + cid
        pltpu.sync_copy(z_hbm, acc.at[pl.ds(sid * ZR, ZR)])
        plsc.subcore_barrier()

        rows = (rows0_v, rows1_v)
        sems = (sem0, sem1)

        @pl.loop(0, KPW // IC)
        def _(c):
            base = wid * KPW + c * IC
            pltpu.sync_copy(src_hbm.at[pl.ds(base, IC)], src_v)
            pltpu.sync_copy(dst_hbm.at[pl.ds(base, IC)], dst_v)
            for b in range(2):
                _gather_block(g_hbm, src_v, rows, sems, b, b)

            @pl.loop(0, IC, step=2)
            def _(t):
                for b in range(2):
                    j = t + b
                    _gather_block_wait(g_hbm, src_v, rows, sems, b, j)
                    pltpu.sync_copy(rows[b], acc.at[dst_v.at[j]], add=True)

                    @pl.when(j + 2 < IC)
                    def _():
                        _gather_block(g_hbm, src_v, rows, sems, b, j + 2)

        plsc.subcore_barrier()

        @pl.when(sid < 10)
        def _():
            pltpu.sync_copy(
                acc.at[pl.ds(sid * 1000, 1000)],
                out_hbm.at[cid].at[pl.ds(sid * 1000, 1000)],
            )

    return agg_kernel(g, src2d, dst2d, zeros128)


def _tc_matmul(x, w):

    def body(x_ref, w_ref, o_ref):
        o_ref[...] = lax.dot_general(
            x_ref[...], w_ref[...], (((1,), (1,)), ((), ())),
            preferred_element_type=jnp.float32)

    return pl.pallas_call(
        body,
        grid=(N // RB,),
        in_specs=[
            pl.BlockSpec((RB, D), lambda i: (i, 0)),
            pl.BlockSpec((D, D), lambda i: (0, 0)),
        ],
        out_specs=pl.BlockSpec((RB, D), lambda i: (i, 0)),
        out_shape=jax.ShapeDtypeStruct((N, D), jnp.float32),
    )(x, w)


def _tc_scale(h, dis):

    def body(h_ref, d_ref, o_ref):
        o_ref[...] = h_ref[...] * d_ref[...]

    return pl.pallas_call(
        body,
        grid=(N // RB,),
        in_specs=[
            pl.BlockSpec((RB, D), lambda i: (i, 0)),
            pl.BlockSpec((RB, 1), lambda i: (i, 0)),
        ],
        out_specs=pl.BlockSpec((RB, D), lambda i: (i, 0)),
        out_shape=jax.ShapeDtypeStruct((N, D), jnp.float32),
    )(h, dis)


def _tc_mid(p, g, dis, b1, w2):

    def body(p_ref, g_ref, d_ref, b_ref, w_ref, o_ref):
        dis = d_ref[...]
        z = (p_ref[0] + p_ref[1] + g_ref[...]) * dis + b_ref[...]
        z = jnp.maximum(z, 0.0)
        o_ref[...] = lax.dot_general(
            z, w_ref[...], (((1,), (1,)), ((), ())),
            preferred_element_type=jnp.float32) * dis

    return pl.pallas_call(
        body,
        grid=(N // RB,),
        in_specs=[
            pl.BlockSpec((NC, RB, D), lambda i: (0, i, 0)),
            pl.BlockSpec((RB, D), lambda i: (i, 0)),
            pl.BlockSpec((RB, 1), lambda i: (i, 0)),
            pl.BlockSpec((1, D), lambda i: (0, 0)),
            pl.BlockSpec((D, D), lambda i: (0, 0)),
        ],
        out_specs=pl.BlockSpec((RB, D), lambda i: (i, 0)),
        out_shape=jax.ShapeDtypeStruct((N, D), jnp.float32),
    )(p, g, dis, b1, w2)


def _tc_final(p, g, dis, b2):

    def body(p_ref, g_ref, d_ref, b_ref, o_ref):
        o_ref[...] = ((p_ref[0] + p_ref[1] + g_ref[...]) * d_ref[...]
                      + b_ref[...])

    return pl.pallas_call(
        body,
        grid=(N // RB,),
        in_specs=[
            pl.BlockSpec((NC, RB, D), lambda i: (0, i, 0)),
            pl.BlockSpec((RB, D), lambda i: (i, 0)),
            pl.BlockSpec((RB, 1), lambda i: (i, 0)),
            pl.BlockSpec((1, D), lambda i: (0, 0)),
        ],
        out_specs=pl.BlockSpec((RB, D), lambda i: (i, 0)),
        out_shape=jax.ShapeDtypeStruct((N, D), jnp.float32),
    )(p, g, dis, b2)


def kernel(x, edge_index, W1, b1, W2, b2):
    src = edge_index[0].astype(jnp.int32)
    dst = edge_index[1].astype(jnp.int32)
    e = src.shape[0]
    pad_lanes = jnp.arange(EPAD - e, dtype=jnp.int32) % EB
    src2d = jnp.concatenate([src, pad_lanes]).reshape(NBLK, EB)
    dst2d = jnp.concatenate([dst, TRASH + pad_lanes]).reshape(NBLK, EB)
    zeros128 = jnp.zeros((ZR, D), jnp.float32)

    degp = _sc_degree(dst2d)
    h1 = _tc_matmul(x, W1)
    dis = lax.rsqrt(1.0 + degp[0, :N] + degp[1, :N])[:, None]

    g1 = _tc_scale(h1, dis)
    p1 = _sc_aggregate(g1, src2d, dst2d, zeros128)
    g2 = _tc_mid(p1, g1, dis, b1.reshape(1, D), W2)
    p2 = _sc_aggregate(g2, src2d, dst2d, zeros128)
    return _tc_final(p2, g2, dis, b2.reshape(1, D))

# --- scband reference (transcript-rebuilt; emitter-appended) ---
"""Pipeline reference for scband-net-33071248179767 (READ-ONLY COPY).

The authoritative reference and input builder live on the scoring server;
editing this copy changes nothing except your own understanding.
"""

import jax, jax.numpy as jnp
import numpy as np

N = 10000
E = 320000
D = 128
H = 128
O = 128


def setup_inputs(seed: int = 0) -> dict:
    key = jax.random.key(seed)
    k1, k2, k3, k4, k5, k6 = jax.random.split(key, 6)
    x = jax.random.normal(k1, (N, D), dtype=jnp.float32)
    edge_index = jax.random.randint(k2, (2, E), 0, N, dtype=jnp.int64)
    # GCNConv params: lin has no bias; separate bias added after aggregation
    W1 = jax.random.normal(k3, (H, D), dtype=jnp.float32) * (1.0 / np.sqrt(D))
    b1 = jnp.zeros((H,), dtype=jnp.float32)
    W2 = jax.random.normal(k4, (O, H), dtype=jnp.float32) * (1.0 / np.sqrt(H))
    b2 = jnp.zeros((O,), dtype=jnp.float32)
    return {"x": x, "edge_index": edge_index, "W1": W1, "b1": b1, "W2": W2, "b2": b2}


def _gcn_conv(x, edge_index, W, b):
    # Faithful PyG GCNConv: add self-loops, symmetric normalization, scatter-add aggregate, bias.
    n = x.shape[0]
    h = x @ W.T
    loop = jnp.arange(n, dtype=edge_index.dtype)
    src = jnp.concatenate([edge_index[0], loop])
    dst = jnp.concatenate([edge_index[1], loop])
    ew = jnp.ones(src.shape[0], dtype=h.dtype)
    deg = jax.ops.segment_sum(ew, dst, num_segments=n)
    deg_inv_sqrt = jnp.where(deg > 0, deg ** -0.5, 0.0)
    norm = deg_inv_sqrt[src] * ew * deg_inv_sqrt[dst]
    msg = h[src] * norm[:, None]
    out = jax.ops.segment_sum(msg, dst, num_segments=n)
    return out + b


def reference(x, edge_index, W1, b1, W2, b2):
    h = _gcn_conv(x, edge_index, W1, b1)
    h = jax.nn.relu(h)
    h = jax.nn.relu(h)  # second F.relu in original forward (idempotent)
    # dropout p=0.2 is identity in eval mode
    out = _gcn_conv(h, edge_index, W2, b2)
    return out

if __name__ == "__main__":
    import jax
    _d = setup_inputs()
    print(jax.jit(kernel)(*tuple(_d.values())))

</pallas_src>

<mosaic_0001>
#map = affine_map<(d0, d1) -> (0, 0)>
module attributes {stable_mosaic.version = 14 : i64} {
  func.func @deg_kernel(%arg0: i32, %arg1: i32, %arg2: memref<2560x128xi32, #tpu.memory_space<hbm>>, %arg3: memref<2x10240xf32, #tpu.memory_space<hbm>>, %arg4: memref<80x128xi32, #tpu.memory_space<vmem>>, %arg5: memref<10240xf32, #tpu.memory_space<vmem>>, %arg6: memref<640xf32, #tpu.memory_space<vmem>>, %arg7: memref<640xf32, #tpu.memory_space<vmem>>, %arg8: memref<16x10240xf32, #tpu.memory_space<vmem_shared>>) attributes {dimension_semantics = [#tpu.dimension_semantics<core_parallel>, #tpu.dimension_semantics<subcore_parallel>], iteration_bounds = array<i64: 2, 16>, scalar_prefetch = 0 : i64, scratch_operands = 5 : i64, tpu.core_type = #tpu.core_type<sc_vector_subcore>, window_params = [{transform_indices = #map}, {transform_indices = #map}]} {
    %mul3A = arith.constant 2 : i32
    %mul3A_0 = arith.muli %arg1, %mul3A : i32
    %add3A = arith.addi %mul3A_0, %arg0 : i32
    %mul3A_1 = arith.constant 80 : i32
    %mul3A_2 = arith.muli %add3A, %mul3A_1 : i32
    "tpu.region"() ({
      %run_scoped3A = tpu.sem_alloc : memref<!tpu.dma_semaphore, #tpu.memory_space<semaphore_mem>>
      %dma_start3A = arith.constant 0 : i32
      %dma_start3A_27 = tpu.memref_slice %arg2[%mul3A_2, %dma_start3A] : memref<2560x128xi32, #tpu.memory_space<hbm>> -> memref<80x128xi32, #tpu.memory_space<hbm>>
      %dma_start3A_28 = arith.constant 0 : i32
      %dma_start3A_29 = tpu.memref_slice %arg2[%mul3A_2, %dma_start3A_28] : memref<2560x128xi32, #tpu.memory_space<hbm>> -> memref<80x128xi32, #tpu.memory_space<hbm>>
      tpu.enqueue_dma source(%dma_start3A_29 : memref<80x128xi32, #tpu.memory_space<hbm>>) target(%arg4 : memref<80x128xi32, #tpu.memory_space<vmem>>) target_semaphore(%run_scoped3A : memref<!tpu.dma_semaphore, #tpu.memory_space<semaphore_mem>>)
      %dma_wait3A = arith.constant 0 : i32
      %dma_wait3A_30 = tpu.memref_slice %arg2[%mul3A_2, %dma_wait3A] : memref<2560x128xi32, #tpu.memory_space<hbm>> -> memref<80x128xi32, #tpu.memory_space<hbm>>
      %dma_wait3A_31 = arith.constant 0 : i32
      %dma_wait3A_32 = tpu.memref_slice %arg2[%mul3A_2, %dma_wait3A_31] : memref<2560x128xi32, #tpu.memory_space<hbm>> -> memref<80x128xi32, #tpu.memory_space<hbm>>
      tpu.wait_dma2 semaphore(%run_scoped3A : memref<!tpu.dma_semaphore, #tpu.memory_space<semaphore_mem>>) src(%dma_wait3A_32 : memref<80x128xi32, #tpu.memory_space<hbm>>) dst(%arg4 : memref<80x128xi32, #tpu.memory_space<vmem>>)
      tpu.yield
    }) : () -> ()
    %broadcast_in_dim3A = arith.constant 0.000000e+00 : f32
    %broadcast_in_dim3A_3 = vector.broadcast %broadcast_in_dim3A : f32 to vector<16xf32>
    %broadcast_in_dim3A_4 = arith.constant 1.000000e+00 : f32
    %broadcast_in_dim3A_5 = vector.broadcast %broadcast_in_dim3A_4 : f32 to vector<16xf32>
    %scan3A = arith.constant 0 : i32
    %scan3A_6 = arith.constant 640 : i32
    %scan3A_7 = arith.addi %scan3A, %scan3A_6 : i32
    %scan3A_8 = arith.constant 1 : i32
    scf.for %scan3A_27 = %scan3A to %scan3A_7 step %scan3A_8  : i32 {
      %mul3A_28 = arith.constant 1 : i32
      %mul3A_29 = arith.muli %scan3A_27, %mul3A_28 : i32
      %add3A_30 = arith.constant 0 : i32
      %add3A_31 = arith.addi %add3A_30, %mul3A_29 : i32
      %mul3A_32 = arith.constant 16 : i32
      %mul3A_33 = arith.muli %add3A_31, %mul3A_32 : i32
      %swap3A = arith.index_cast %mul3A_33 : i32 to index
      %swap3A_34 = tpu.vector_load %arg5[%swap3A] {strides = array<i32>} : memref<10240xf32, #tpu.memory_space<vmem>>, vector<16xf32>,
      tpu.vector_store %arg5[%swap3A], %broadcast_in_dim3A_3 {strides = array<i32>} : memref<10240xf32, #tpu.memory_space<vmem>>, vector<16xf32>,
    }
    %scan3A_9 = arith.constant 640 : i32
    %scan3A_10 = arith.constant 0 : i32
    %scan3A_11 = arith.constant 80 : i32
    %scan3A_12 = arith.addi %scan3A_10, %scan3A_11 : i32
    %scan3A_13 = arith.constant 1 : i32
    scf.for %scan3A_27 = %scan3A_10 to %scan3A_12 step %scan3A_13  : i32 {
      %mul3A_28 = arith.constant 1 : i32
      %mul3A_29 = arith.muli %scan3A_27, %mul3A_28 : i32
      %add3A_30 = arith.constant 0 : i32
      %add3A_31 = arith.addi %add3A_30, %mul3A_29 : i32
      %get3A = arith.index_cast %add3A_31 : i32 to index
      %get3A_32 = arith.constant 0 : index
      %get3A_33 = tpu.vector_load %arg4[%get3A, %get3A_32] {strides = array<i32>} : memref<80x128xi32, #tpu.memory_space<vmem>>, vector<16xi32>,
      tpu.vector_store_idx %arg5[%get3A_33], %broadcast_in_dim3A_5 {add = true} : memref<10240xf32, #tpu.memory_space<vmem>>[vector<16xi32>], vector<16xf32>,
      %get3A_34 = arith.index_cast %add3A_31 : i32 to index
      %get3A_35 = arith.constant 16 : index
      %get3A_36 = tpu.vector_load %arg4[%get3A_34, %get3A_35] {strides = array<i32>} : memref<80x128xi32, #tpu.memory_space<vmem>>, vector<16xi32>,
      tpu.vector_store_idx %arg5[%get3A_36], %broadcast_in_dim3A_5 {add = true} : memref<10240xf32, #tpu.memory_space<vmem>>[vector<16xi32>], vector<16xf32>,
      %get3A_37 = arith.index_cast %add3A_31 : i32 to index
      %get3A_38 = arith.constant 32 : index
      %get3A_39 = tpu.vector_load %arg4[%get3A_37, %get3A_38] {strides = array<i32>} : memref<80x128xi32, #tpu.memory_space<vmem>>, vector<16xi32>,
      tpu.vector_store_idx %arg5[%get3A_39], %broadcast_in_dim3A_5 {add = true} : memref<10240xf32, #tpu.memory_space<vmem>>[vector<16xi32>], vector<16xf32>,
      %get3A_40 = arith.index_cast %add3A_31 : i32 to index
      %get3A_41 = arith.constant 48 : index
      %get3A_42 = tpu.vector_load %arg4[%get3A_40, %get3A_41] {strides = array<i32>} : memref<80x128xi32, #tpu.memory_space<vmem>>, vector<16xi32>,
      tpu.vector_store_idx %arg5[%get3A_42], %broadcast_in_dim3A_5 {add = true} : memref<10240xf32, #tpu.memory_space<vmem>>[vector<16xi32>], vector<16xf32>,
      %get3A_43 = arith.index_cast %add3A_31 : i32 to index
      %get3A_44 = arith.constant 64 : index
      %get3A_45 = tpu.vector_load %arg4[%get3A_43, %get3A_44] {strides = array<i32>} : memref<80x128xi32, #tpu.memory_space<vmem>>, vector<16xi32>,
      tpu.vector_store_idx %arg5[%get3A_45], %broadcast_in_dim3A_5 {add = true} : memref<10240xf32, #tpu.memory_space<vmem>>[vector<16xi32>], vector<16xf32>,
      %get3A_46 = arith.index_cast %add3A_31 : i32 to index
      %get3A_47 = arith.constant 80 : index
      %get3A_48 = tpu.vector_load %arg4[%get3A_46, %get3A_47] {strides = array<i32>} : memref<80x128xi32, #tpu.memory_space<vmem>>, vector<16xi32>,
      tpu.vector_store_idx %arg5[%get3A_48], %broadcast_in_dim3A_5 {add = true} : memref<10240xf32, #tpu.memory_space<vmem>>[vector<16xi32>], vector<16xf32>,
      %get3A_49 = arith.index_cast %add3A_31 : i32 to index
      %get3A_50 = arith.constant 96 : index
      %get3A_51 = tpu.vector_load %arg4[%get3A_49, %get3A_50] {strides = array<i32>} : memref<80x128xi32, #tpu.memory_space<vmem>>, vector<16xi32>,
      tpu.vector_store_idx %arg5[%get3A_51], %broadcast_in_dim3A_5 {add = true} : memref<10240xf32, #tpu.memory_space<vmem>>[vector<16xi32>], vector<16xf32>,
      %get3A_52 = arith.index_cast %add3A_31 : i32 to index
      %get3A_53 = arith.constant 112 : index
      %get3A_54 = tpu.vector_load %arg4[%get3A_52, %get3A_53] {strides = array<i32>} : memref<80x128xi32, #tpu.memory_space<vmem>>, vector<16xi32>,
      tpu.vector_store_idx %arg5[%get3A_54], %broadcast_in_dim3A_5 {add = true} : memref<10240xf32, #tpu.memory_space<vmem>>[vector<16xi32>], vector<16xf32>,
    }
    %scan3A_14 = arith.constant 80 : i32
    "tpu.region"() ({
      %run_scoped3A = tpu.sem_alloc : memref<!tpu.dma_semaphore, #tpu.memory_space<semaphore_mem>>
      %dma_start3A = arith.constant 0 : i32
      %dma_start3A_27 = tpu.memref_slice %arg8[%arg1, %dma_start3A] : memref<16x10240xf32, #tpu.memory_space<vmem_shared>> -> memref<1x10240xf32, #tpu.memory_space<vmem_shared>>
      %dma_start3A_28 = tpu.memref_squeeze %dma_start3A_27 : memref<1x10240xf32, #tpu.memory_space<vmem_shared>> -> memref<10240xf32, #tpu.memory_space<vmem_shared>>
      %dma_start3A_29 = arith.constant 0 : i32
      %dma_start3A_30 = tpu.memref_slice %arg8[%arg1, %dma_start3A_29] : memref<16x10240xf32, #tpu.memory_space<vmem_shared>> -> memref<1x10240xf32, #tpu.memory_space<vmem_shared>>
      %dma_start3A_31 = tpu.memref_squeeze %dma_start3A_30 : memref<1x10240xf32, #tpu.memory_space<vmem_shared>> -> memref<10240xf32, #tpu.memory_space<vmem_shared>>
      tpu.enqueue_dma source(%arg5 : memref<10240xf32, #tpu.memory_space<vmem>>) target(%dma_start3A_31 : memref<10240xf32, #tpu.memory_space<vmem_shared>>) target_semaphore(%run_scoped3A : memref<!tpu.dma_semaphore, #tpu.memory_space<semaphore_mem>>)
      %dma_wait3A = arith.constant 0 : i32
      %dma_wait3A_32 = tpu.memref_slice %arg8[%arg1, %dma_wait3A] : memref<16x10240xf32, #tpu.memory_space<vmem_shared>> -> memref<1x10240xf32, #tpu.memory_space<vmem_shared>>
      %dma_wait3A_33 = tpu.memref_squeeze %dma_wait3A_32 : memref<1x10240xf32, #tpu.memory_space<vmem_shared>> -> memref<10240xf32, #tpu.memory_space<vmem_shared>>
      %dma_wait3A_34 = arith.constant 0 : i32
      %dma_wait3A_35 = tpu.memref_slice %arg8[%arg1, %dma_wait3A_34] : memref<16x10240xf32, #tpu.memory_space<vmem_shared>> -> memref<1x10240xf32, #tpu.memory_space<vmem_shared>>
      %dma_wait3A_36 = tpu.memref_squeeze %dma_wait3A_35 : memref<1x10240xf32, #tpu.memory_space<vmem_shared>> -> memref<10240xf32, #tpu.memory_space<vmem_shared>>
      tpu.wait_dma2 semaphore(%run_scoped3A : memref<!tpu.dma_semaphore, #tpu.memory_space<semaphore_mem>>) src(%arg5 : memref<10240xf32, #tpu.memory_space<vmem>>) dst(%dma_wait3A_36 : memref<10240xf32, #tpu.memory_space<vmem_shared>>)
      tpu.yield
    }) : () -> ()
    %barrier3A = arith.constant 0 : index
    tpu.barrier barrier_id(%barrier3A)
    %scan3A_15 = arith.constant 0 : i32
    %scan3A_16 = arith.constant 40 : i32
    %scan3A_17 = arith.addi %scan3A_15, %scan3A_16 : i32
    %scan3A_18 = arith.constant 1 : i32
    scf.for %scan3A_27 = %scan3A_15 to %scan3A_17 step %scan3A_18  : i32 {
      %mul3A_28 = arith.constant 1 : i32
      %mul3A_29 = arith.muli %scan3A_27, %mul3A_28 : i32
      %add3A_30 = arith.constant 0 : i32
      %add3A_31 = arith.addi %add3A_30, %mul3A_29 : i32
      %mul3A_32 = arith.constant 16 : i32
      %mul3A_33 = arith.muli %add3A_31, %mul3A_32 : i32
      %swap3A = arith.index_cast %mul3A_33 : i32 to index
      %swap3A_34 = tpu.vector_load %arg7[%swap3A] {strides = array<i32>} : memref<640xf32, #tpu.memory_space<vmem>>, vector<16xf32>,
      tpu.vector_store %arg7[%swap3A], %broadcast_in_dim3A_3 {strides = array<i32>} : memref<640xf32, #tpu.memory_space<vmem>>, vector<16xf32>,
    }
    %scan3A_19 = arith.constant 40 : i32
    %scan3A_20 = arith.constant 0 : i32
    %scan3A_21 = arith.constant 16 : i32
    %scan3A_22 = arith.addi %scan3A_20, %scan3A_21 : i32
    %scan3A_23 = arith.constant 1 : i32
    scf.for %scan3A_27 = %scan3A_20 to %scan3A_22 step %scan3A_23  : i32 {
      %mul3A_28 = arith.constant 1 : i32
      %mul3A_29 = arith.muli %scan3A_27, %mul3A_28 : i32
      %add3A_30 = arith.constant 0 : i32
      %add3A_31 = arith.addi %add3A_30, %mul3A_29 : i32
      %mul3A_32 = arith.constant 640 : i32
      %mul3A_33 = arith.muli %arg1, %mul3A_32 : i32
      "tpu.region"() ({
        %run_scoped3A = tpu.sem_alloc : memref<!tpu.dma_semaphore, #tpu.memory_space<semaphore_mem>>
        %dma_start3A = tpu.memref_slice %arg8[%add3A_31, %mul3A_33] : memref<16x10240xf32, #tpu.memory_space<vmem_shared>> -> memref<1x640xf32, #tpu.memory_space<vmem_shared>>
        %dma_start3A_39 = tpu.memref_squeeze %dma_start3A : memref<1x640xf32, #tpu.memory_space<vmem_shared>> -> memref<640xf32, #tpu.memory_space<vmem_shared>>
        %dma_start3A_40 = tpu.memref_slice %arg8[%add3A_31, %mul3A_33] : memref<16x10240xf32, #tpu.memory_space<vmem_shared>> -> memref<1x640xf32, #tpu.memory_space<vmem_shared>>
        %dma_start3A_41 = tpu.memref_squeeze %dma_start3A_40 : memref<1x640xf32, #tpu.memory_space<vmem_shared>> -> memref<640xf32, #tpu.memory_space<vmem_shared>>
        tpu.enqueue_dma source(%dma_start3A_41 : memref<640xf32, #tpu.memory_space<vmem_shared>>) target(%arg6 : memref<640xf32, #tpu.memory_space<vmem>>) target_semaphore(%run_scoped3A : memref<!tpu.dma_semaphore, #tpu.memory_space<semaphore_mem>>)
        %dma_wait3A = tpu.memref_slice %arg8[%add3A_31, %mul3A_33] : memref<16x10240xf32, #tpu.memory_space<vmem_shared>> -> memref<1x640xf32, #tpu.memory_space<vmem_shared>>
        %dma_wait3A_42 = tpu.memref_squeeze %dma_wait3A : memref<1x640xf32, #tpu.memory_space<vmem_shared>> -> memref<640xf32, #tpu.memory_space<vmem_shared>>
        %dma_wait3A_43 = tpu.memref_slice %arg8[%add3A_31, %mul3A_33] : memref<16x10240xf32, #tpu.memory_space<vmem_shared>> -> memref<1x640xf32, #tpu.memory_space<vmem_shared>>
        %dma_wait3A_44 = tpu.memref_squeeze %dma_wait3A_43 : memref<1x640xf32, #tpu.memory_space<vmem_shared>> -> memref<640xf32, #tpu.memory_space<vmem_shared>>
        tpu.wait_dma2 semaphore(%run_scoped3A : memref<!tpu.dma_semaphore, #tpu.memory_space<semaphore_mem>>) src(%dma_wait3A_44 : memref<640xf32, #tpu.memory_space<vmem_shared>>) dst(%arg6 : memref<640xf32, #tpu.memory_space<vmem>>)
        tpu.yield
      }) : () -> ()
      %scan3A_34 = arith.constant 0 : i32
      %scan3A_35 = arith.constant 40 : i32
      %scan3A_36 = arith.addi %scan3A_34, %scan3A_35 : i32
      %scan3A_37 = arith.constant 1 : i32
      scf.for %scan3A_39 = %scan3A_34 to %scan3A_36 step %scan3A_37  : i32 {
        %mul3A_40 = arith.constant 1 : i32
        %mul3A_41 = arith.muli %scan3A_39, %mul3A_40 : i32
        %add3A_42 = arith.constant 0 : i32
        %add3A_43 = arith.addi %add3A_42, %mul3A_41 : i32
        %mul3A_44 = arith.constant 16 : i32
        %mul3A_45 = arith.muli %add3A_43, %mul3A_44 : i32
        %get3A = arith.index_cast %mul3A_45 : i32 to index
        %get3A_46 = tpu.vector_load %arg7[%get3A] {strides = array<i32>} : memref<640xf32, #tpu.memory_space<vmem>>, vector<16xf32>,
        %get3A_47 = arith.index_cast %mul3A_45 : i32 to index
        %get3A_48 = tpu.vector_load %arg6[%get3A_47] {strides = array<i32>} : memref<640xf32, #tpu.memory_space<vmem>>, vector<16xf32>,
        %add3A_49 = arith.addf %get3A_46, %get3A_48 : vector<16xf32>
        %swap3A = arith.index_cast %mul3A_45 : i32 to index
        %swap3A_50 = tpu.vector_load %arg7[%swap3A] {strides = array<i32>} : memref<640xf32, #tpu.memory_space<vmem>>, vector<16xf32>,
        tpu.vector_store %arg7[%swap3A], %add3A_49 {strides = array<i32>} : memref<640xf32, #tpu.memory_space<vmem>>, vector<16xf32>,
      }
      %scan3A_38 = arith.constant 40 : i32
    }
    %scan3A_24 = arith.constant 16 : i32
    %mul3A_25 = arith.constant 640 : i32
    %mul3A_26 = arith.muli %arg1, %mul3A_25 : i32
    "tpu.region"() ({
      %run_scoped3A = tpu.sem_alloc : memref<!tpu.dma_semaphore, #tpu.memory_space<semaphore_mem>>
      %dma_start3A = tpu.memref_slice %arg3[%arg0, %mul3A_26] : memref<2x10240xf32, #tpu.memory_space<hbm>> -> memref<1x640xf32, #tpu.memory_space<hbm>>
      %dma_start3A_27 = tpu.memref_squeeze %dma_start3A : memref<1x640xf32, #tpu.memory_space<hbm>> -> memref<640xf32, #tpu.memory_space<hbm>>
      %dma_start3A_28 = tpu.memref_slice %arg3[%arg0, %mul3A_26] : memref<2x10240xf32, #tpu.memory_space<hbm>> -> memref<1x640xf32, #tpu.memory_space<hbm>>
      %dma_start3A_29 = tpu.memref_squeeze %dma_start3A_28 : memref<1x640xf32, #tpu.memory_space<hbm>> -> memref<640xf32, #tpu.memory_space<hbm>>
      tpu.enqueue_dma source(%arg7 : memref<640xf32, #tpu.memory_space<vmem>>) target(%dma_start3A_29 : memref<640xf32, #tpu.memory_space<hbm>>) target_semaphore(%run_scoped3A : memref<!tpu.dma_semaphore, #tpu.memory_space<semaphore_mem>>)
      %dma_wait3A = tpu.memref_slice %arg3[%arg0, %mul3A_26] : memref<2x10240xf32, #tpu.memory_space<hbm>> -> memref<1x640xf32, #tpu.memory_space<hbm>>
      %dma_wait3A_30 = tpu.memref_squeeze %dma_wait3A : memref<1x640xf32, #tpu.memory_space<hbm>> -> memref<640xf32, #tpu.memory_space<hbm>>
      %dma_wait3A_31 = tpu.memref_slice %arg3[%arg0, %mul3A_26] : memref<2x10240xf32, #tpu.memory_space<hbm>> -> memref<1x640xf32, #tpu.memory_space<hbm>>
      %dma_wait3A_32 = tpu.memref_squeeze %dma_wait3A_31 : memref<1x640xf32, #tpu.memory_space<hbm>> -> memref<640xf32, #tpu.memory_space<hbm>>
      tpu.wait_dma2 semaphore(%run_scoped3A : memref<!tpu.dma_semaphore, #tpu.memory_space<semaphore_mem>>) src(%arg7 : memref<640xf32, #tpu.memory_space<vmem>>) dst(%dma_wait3A_32 : memref<640xf32, #tpu.memory_space<hbm>>)
      tpu.yield
    }) : () -> ()
    return
  }
}

#map = affine_map<(d0, d1) -> (0, 0)>
#map1 = affine_map<(d0, d1) -> (0, 0, 0)>
module attributes {stable_mosaic.version = 14 : i64} {
  func.func @agg_kernel(%arg0: i32, %arg1: i32, %arg2: memref<10000x128xf32, #tpu.memory_space<hbm>>, %arg3: memref<2560x128xi32, #tpu.memory_space<hbm>>, %arg4: memref<2560x128xi32, #tpu.memory_space<hbm>>, %arg5: memref<640x128xf32, #tpu.memory_space<hbm>>, %arg6: memref<2x10240x128xf32, #tpu.memory_space<hbm>>, %arg7: memref<40x128xi32, #tpu.memory_space<vmem>>, %arg8: memref<40x128xi32, #tpu.memory_space<vmem>>, %arg9: memref<128x128xf32, #tpu.memory_space<vmem>>, %arg10: memref<128x128xf32, #tpu.memory_space<vmem>>, %arg11: memref<10240x128xf32, #tpu.memory_space<vmem_shared>>, %arg12: memref<!tpu.dma_semaphore, #tpu.memory_space<semaphore_mem>>, %arg13: memref<!tpu.dma_semaphore, #tpu.memory_space<semaphore_mem>>) attributes {dimension_semantics = [#tpu.dimension_semantics<core_parallel>, #tpu.dimension_semantics<subcore_parallel>], iteration_bounds = array<i64: 2, 16>, scalar_prefetch = 0 : i64, scratch_operands = 7 : i64, tpu.core_type = #tpu.core_type<sc_vector_subcore>, window_params = [{transform_indices = #map}, {transform_indices = #map}, {transform_indices = #map}, {transform_indices = #map}, {transform_indices = #map1}]} {
    %mul3A = arith.constant 2 : i32
    %mul3A_0 = arith.muli %arg1, %mul3A : i32
    %add3A = arith.addi %mul3A_0, %arg0 : i32
    %mul3A_1 = arith.constant 640 : i32
    %mul3A_2 = arith.muli %arg1, %mul3A_1 : i32
    "tpu.region"() ({
      %run_scoped3A = tpu.sem_alloc : memref<!tpu.dma_semaphore, #tpu.memory_space<semaphore_mem>>
      %dma_start3A = arith.constant 0 : i32
      %dma_start3A_10 = tpu.memref_slice %arg11[%mul3A_2, %dma_start3A] : memref<10240x128xf32, #tpu.memory_space<vmem_shared>> -> memref<640x128xf32, #tpu.memory_space<vmem_shared>>
      tpu.enqueue_dma source(%arg5 : memref<640x128xf32, #tpu.memory_space<hbm>>) target(%dma_start3A_10 : memref<640x128xf32, #tpu.memory_space<vmem_shared>>) target_semaphore(%run_scoped3A : memref<!tpu.dma_semaphore, #tpu.memory_space<semaphore_mem>>)
      %dma_wait3A = arith.constant 0 : i32
      %dma_wait3A_11 = tpu.memref_slice %arg11[%mul3A_2, %dma_wait3A] : memref<10240x128xf32, #tpu.memory_space<vmem_shared>> -> memref<640x128xf32, #tpu.memory_space<vmem_shared>>
      tpu.wait_dma2 semaphore(%run_scoped3A : memref<!tpu.dma_semaphore, #tpu.memory_space<semaphore_mem>>) src(%arg5 : memref<640x128xf32, #tpu.memory_space<hbm>>) dst(%dma_wait3A_11 : memref<640x128xf32, #tpu.memory_space<vmem_shared>>)
      tpu.yield
    }) : () -> ()
    %barrier3A = arith.constant 0 : index
    tpu.barrier barrier_id(%barrier3A)
    %scan3A = arith.constant 0 : i32
    %scan3A_3 = arith.constant 2 : i32
    %scan3A_4 = arith.addi %scan3A, %scan3A_3 : i32
    %scan3A_5 = arith.constant 1 : i32
    scf.for %scan3A_10 = %scan3A to %scan3A_4 step %scan3A_5  : i32 {
      %mul3A_11 = arith.constant 1 : i32
      %mul3A_12 = arith.muli %scan3A_10, %mul3A_11 : i32
      %add3A_13 = arith.constant 0 : i32
      %add3A_14 = arith.addi %add3A_13, %mul3A_12 : i32
      %mul3A_15 = arith.constant 80 : i32
      %mul3A_16 = arith.muli %add3A, %mul3A_15 : i32
      %mul3A_17 = arith.constant 40 : i32
      %mul3A_18 = arith.muli %add3A_14, %mul3A_17 : i32
      %add3A_19 = arith.addi %mul3A_16, %mul3A_18 : i32
      "tpu.region"() ({
        %run_scoped3A = tpu.sem_alloc : memref<!tpu.dma_semaphore, #tpu.memory_space<semaphore_mem>>
        %dma_start3A_64 = arith.constant 0 : i32
        %dma_start3A_65 = tpu.memref_slice %arg3[%add3A_19, %dma_start3A_64] : memref<2560x128xi32, #tpu.memory_space<hbm>> -> memref<40x128xi32, #tpu.memory_space<hbm>>
        %dma_start3A_66 = arith.constant 0 : i32
        %dma_start3A_67 = tpu.memref_slice %arg3[%add3A_19, %dma_start3A_66] : memref<2560x128xi32, #tpu.memory_space<hbm>> -> memref<40x128xi32, #tpu.memory_space<hbm>>
        tpu.enqueue_dma source(%dma_start3A_67 : memref<40x128xi32, #tpu.memory_space<hbm>>) target(%arg7 : memref<40x128xi32, #tpu.memory_space<vmem>>) target_semaphore(%run_scoped3A : memref<!tpu.dma_semaphore, #tpu.memory_space<semaphore_mem>>)
        %dma_wait3A = arith.constant 0 : i32
        %dma_wait3A_68 = tpu.memref_slice %arg3[%add3A_19, %dma_wait3A] : memref<2560x128xi32, #tpu.memory_space<hbm>> -> memref<40x128xi32, #tpu.memory_space<hbm>>
        %dma_wait3A_69 = arith.constant 0 : i32
        %dma_wait3A_70 = tpu.memref_slice %arg3[%add3A_19, %dma_wait3A_69] : memref<2560x128xi32, #tpu.memory_space<hbm>> -> memref<40x128xi32, #tpu.memory_space<hbm>>
        tpu.wait_dma2 semaphore(%run_scoped3A : memref<!tpu.dma_semaphore, #tpu.memory_space<semaphore_mem>>) src(%dma_wait3A_70 : memref<40x128xi32, #tpu.memory_space<hbm>>) dst(%arg7 : memref<40x128xi32, #tpu.memory_space<vmem>>)
        tpu.yield
      }) : () -> ()
      "tpu.region"() ({
        %run_scoped3A = tpu.sem_alloc : memref<!tpu.dma_semaphore, #tpu.memory_space<semaphore_mem>>
        %dma_start3A_64 = arith.constant 0 : i32
        %dma_start3A_65 = tpu.memref_slice %arg4[%add3A_19, %dma_start3A_64] : memref<2560x128xi32, #tpu.memory_space<hbm>> -> memref<40x128xi32, #tpu.memory_space<hbm>>
        %dma_start3A_66 = arith.constant 0 : i32
        %dma_start3A_67 = tpu.memref_slice %arg4[%add3A_19, %dma_start3A_66] : memref<2560x128xi32, #tpu.memory_space<hbm>> -> memref<40x128xi32, #tpu.memory_space<hbm>>
        tpu.enqueue_dma source(%dma_start3A_67 : memref<40x128xi32, #tpu.memory_space<hbm>>) target(%arg8 : memref<40x128xi32, #tpu.memory_space<vmem>>) target_semaphore(%run_scoped3A : memref<!tpu.dma_semaphore, #tpu.memory_space<semaphore_mem>>)
        %dma_wait3A = arith.constant 0 : i32
        %dma_wait3A_68 = tpu.memref_slice %arg4[%add3A_19, %dma_wait3A] : memref<2560x128xi32, #tpu.memory_space<hbm>> -> memref<40x128xi32, #tpu.memory_space<hbm>>
        %dma_wait3A_69 = arith.constant 0 : i32
        %dma_wait3A_70 = tpu.memref_slice %arg4[%add3A_19, %dma_wait3A_69] : memref<2560x128xi32, #tpu.memory_space<hbm>> -> memref<40x128xi32, #tpu.memory_space<hbm>>
        tpu.wait_dma2 semaphore(%run_scoped3A : memref<!tpu.dma_semaphore, #tpu.memory_space<semaphore_mem>>) src(%dma_wait3A_70 : memref<40x128xi32, #tpu.memory_space<hbm>>) dst(%arg8 : memref<40x128xi32, #tpu.memory_space<vmem>>)
        tpu.yield
      }) : () -> ()
      %dma_start3A = arith.constant 0 : i32
      %dma_start3A_20 = arith.constant 0 : i32
      %dma_start3A_21 = arith.constant 0 : i32
      %dma_start3A_22 = tpu.memref_slice %arg9[%dma_start3A_20, %dma_start3A_21] : memref<128x128xf32, #tpu.memory_space<vmem>> -> memref<64x128xf32, #tpu.memory_space<vmem>>
      %dma_start3A_23 = arith.constant 0 : i32
      %dma_start3A_24 = tpu.memref_slice %arg7[%dma_start3A, %dma_start3A_23] : memref<40x128xi32, #tpu.memory_space<vmem>> -> memref<1x64xi32, #tpu.memory_space<vmem>>
      %dma_start3A_25 = tpu.memref_squeeze %dma_start3A_24 : memref<1x64xi32, #tpu.memory_space<vmem>> -> memref<64xi32, #tpu.memory_space<vmem>>
      %dma_start3A_26 = arith.constant 0 : i32
      %dma_start3A_27 = arith.constant 0 : i32
      %dma_start3A_28 = tpu.memref_slice %arg2[%dma_start3A_26, %dma_start3A_27] : memref<10000x128xf32, #tpu.memory_space<hbm>> -> memref<10000x128xf32, #tpu.memory_space<hbm>>
      tpu.enqueue_indirect_dma source(%dma_start3A_28 : memref<10000x128xf32, #tpu.memory_space<hbm>>) target(%dma_start3A_22 : memref<64x128xf32, #tpu.memory_space<vmem>>) offsets(%dma_start3A_25 : memref<64xi32, #tpu.memory_space<vmem>>) semaphore(%arg12 : memref<!tpu.dma_semaphore, #tpu.memory_space<semaphore_mem>>)
      %dma_start3A_29 = arith.constant 0 : i32
      %dma_start3A_30 = arith.constant 64 : i32
      %dma_start3A_31 = arith.constant 0 : i32
      %dma_start3A_32 = tpu.memref_slice %arg9[%dma_start3A_30, %dma_start3A_31] : memref<128x128xf32, #tpu.memory_space<vmem>> -> memref<64x128xf32, #tpu.memory_space<vmem>>
      %dma_start3A_33 = arith.constant 64 : i32
      %dma_start3A_34 = tpu.memref_slice %arg7[%dma_start3A_29, %dma_start3A_33] : memref<40x128xi32, #tpu.memory_space<vmem>> -> memref<1x64xi32, #tpu.memory_space<vmem>>
      %dma_start3A_35 = tpu.memref_squeeze %dma_start3A_34 : memref<1x64xi32, #tpu.memory_space<vmem>> -> memref<64xi32, #tpu.memory_space<vmem>>
      %dma_start3A_36 = arith.constant 0 : i32
      %dma_start3A_37 = arith.constant 0 : i32
      %dma_start3A_38 = tpu.memref_slice %arg2[%dma_start3A_36, %dma_start3A_37] : memref<10000x128xf32, #tpu.memory_space<hbm>> -> memref<10000x128xf32, #tpu.memory_space<hbm>>
      tpu.enqueue_indirect_dma source(%dma_start3A_38 : memref<10000x128xf32, #tpu.memory_space<hbm>>) target(%dma_start3A_32 : memref<64x128xf32, #tpu.memory_space<vmem>>) offsets(%dma_start3A_35 : memref<64xi32, #tpu.memory_space<vmem>>) semaphore(%arg12 : memref<!tpu.dma_semaphore, #tpu.memory_space<semaphore_mem>>)
      %dma_start3A_39 = arith.constant 1 : i32
      %dma_start3A_40 = arith.constant 0 : i32
      %dma_start3A_41 = arith.constant 0 : i32
      %dma_start3A_42 = tpu.memref_slice %arg10[%dma_start3A_40, %dma_start3A_41] : memref<128x128xf32, #tpu.memory_space<vmem>> -> memref<64x128xf32, #tpu.memory_space<vmem>>
      %dma_start3A_43 = arith.constant 0 : i32
      %dma_start3A_44 = tpu.memref_slice %arg7[%dma_start3A_39, %dma_start3A_43] : memref<40x128xi32, #tpu.memory_space<vmem>> -> memref<1x64xi32, #tpu.memory_space<vmem>>
      %dma_start3A_45 = tpu.memref_squeeze %dma_start3A_44 : memref<1x64xi32, #tpu.memory_space<vmem>> -> memref<64xi32, #tpu.memory_space<vmem>>
      %dma_start3A_46 = arith.constant 0 : i32
      %dma_start3A_47 = arith.constant 0 : i32
      %dma_start3A_48 = tpu.memref_slice %arg2[%dma_start3A_46, %dma_start3A_47] : memref<10000x128xf32, #tpu.memory_space<hbm>> -> memref<10000x128xf32, #tpu.memory_space<hbm>>
      tpu.enqueue_indirect_dma source(%dma_start3A_48 : memref<10000x128xf32, #tpu.memory_space<hbm>>) target(%dma_start3A_42 : memref<64x128xf32, #tpu.memory_space<vmem>>) offsets(%dma_start3A_45 : memref<64xi32, #tpu.memory_space<vmem>>) semaphore(%arg13 : memref<!tpu.dma_semaphore, #tpu.memory_space<semaphore_mem>>)
      %dma_start3A_49 = arith.constant 1 : i32
      %dma_start3A_50 = arith.constant 64 : i32
      %dma_start3A_51 = arith.constant 0 : i32
      %dma_start3A_52 = tpu.memref_slice %arg10[%dma_start3A_50, %dma_start3A_51] : memref<128x128xf32, #tpu.memory_space<vmem>> -> memref<64x128xf32, #tpu.memory_space<vmem>>
      %dma_start3A_53 = arith.constant 64 : i32
      %dma_start3A_54 = tpu.memref_slice %arg7[%dma_start3A_49, %dma_start3A_53] : memref<40x128xi32, #tpu.memory_space<vmem>> -> memref<1x64xi32, #tpu.memory_space<vmem>>
      %dma_start3A_55 = tpu.memref_squeeze %dma_start3A_54 : memref<1x64xi32, #tpu.memory_space<vmem>> -> memref<64xi32, #tpu.memory_space<vmem>>
      %dma_start3A_56 = arith.constant 0 : i32
      %dma_start3A_57 = arith.constant 0 : i32
      %dma_start3A_58 = tpu.memref_slice %arg2[%dma_start3A_56, %dma_start3A_57] : memref<10000x128xf32, #tpu.memory_space<hbm>> -> memref<10000x128xf32, #tpu.memory_space<hbm>>
      tpu.enqueue_indirect_dma source(%dma_start3A_58 : memref<10000x128xf32, #tpu.memory_space<hbm>>) target(%dma_start3A_52 : memref<64x128xf32, #tpu.memory_space<vmem>>) offsets(%dma_start3A_55 : memref<64xi32, #tpu.memory_space<vmem>>) semaphore(%arg13 : memref<!tpu.dma_semaphore, #tpu.memory_space<semaphore_mem>>)
      %scan3A_59 = arith.constant 0 : i32
      %scan3A_60 = arith.constant 20 : i32
      %scan3A_61 = arith.addi %scan3A_59, %scan3A_60 : i32
      %scan3A_62 = arith.constant 1 : i32
      scf.for %scan3A_64 = %scan3A_59 to %scan3A_61 step %scan3A_62  : i32 {
        %mul3A_65 = arith.constant 2 : i32
        %mul3A_66 = arith.muli %scan3A_64, %mul3A_65 : i32
        %add3A_67 = arith.constant 0 : i32
        %add3A_68 = arith.addi %add3A_67, %mul3A_66 : i32
        %add3A_69 = arith.constant 0 : i32
        %add3A_70 = arith.addi %add3A_68, %add3A_69 : i32
        %dma_wait3A = arith.constant 0 : i32
        %dma_wait3A_71 = arith.constant 0 : i32
        %dma_wait3A_72 = tpu.memref_slice %arg9[%dma_wait3A, %dma_wait3A_71] : memref<128x128xf32, #tpu.memory_space<vmem>> -> memref<64x128xf32, #tpu.memory_space<vmem>>
        %dma_wait3A_73 = arith.constant 0 : i32
        %dma_wait3A_74 = tpu.memref_slice %arg7[%add3A_70, %dma_wait3A_73] : memref<40x128xi32, #tpu.memory_space<vmem>> -> memref<1x64xi32, #tpu.memory_space<vmem>>
        %dma_wait3A_75 = tpu.memref_squeeze %dma_wait3A_74 : memref<1x64xi32, #tpu.memory_space<vmem>> -> memref<64xi32, #tpu.memory_space<vmem>>
        %dma_wait3A_76 = arith.constant 0 : i32
        %dma_wait3A_77 = arith.constant 0 : i32
        %dma_wait3A_78 = tpu.memref_slice %arg2[%dma_wait3A_76, %dma_wait3A_77] : memref<10000x128xf32, #tpu.memory_space<hbm>> -> memref<10000x128xf32, #tpu.memory_space<hbm>>
        tpu.wait_indirect_dma semaphore(%arg12 : memref<!tpu.dma_semaphore, #tpu.memory_space<semaphore_mem>>) src(%dma_wait3A_78 : memref<10000x128xf32, #tpu.memory_space<hbm>>) dst(%dma_wait3A_72 : memref<64x128xf32, #tpu.memory_space<vmem>>)
        %dma_wait3A_79 = arith.constant 64 : i32
        %dma_wait3A_80 = arith.constant 0 : i32
        %dma_wait3A_81 = tpu.memref_slice %arg9[%dma_wait3A_79, %dma_wait3A_80] : memref<128x128xf32, #tpu.memory_space<vmem>> -> memref<64x128xf32, #tpu.memory_space<vmem>>
        %dma_wait3A_82 = arith.constant 64 : i32
        %dma_wait3A_83 = tpu.memref_slice %arg7[%add3A_70, %dma_wait3A_82] : memref<40x128xi32, #tpu.memory_space<vmem>> -> memref<1x64xi32, #tpu.memory_space<vmem>>
        %dma_wait3A_84 = tpu.memref_squeeze %dma_wait3A_83 : memref<1x64xi32, #tpu.memory_space<vmem>> -> memref<64xi32, #tpu.memory_space<vmem>>
        %dma_wait3A_85 = arith.constant 0 : i32
        %dma_wait3A_86 = arith.constant 0 : i32
        %dma_wait3A_87 = tpu.memref_slice %arg2[%dma_wait3A_85, %dma_wait3A_86] : memref<10000x128xf32, #tpu.memory_space<hbm>> -> memref<10000x128xf32, #tpu.memory_space<hbm>>
        tpu.wait_indirect_dma semaphore(%arg12 : memref<!tpu.dma_semaphore, #tpu.memory_space<semaphore_mem>>) src(%dma_wait3A_87 : memref<10000x128xf32, #tpu.memory_space<hbm>>) dst(%dma_wait3A_81 : memref<64x128xf32, #tpu.memory_space<vmem>>)
        "tpu.region"() ({
          %run_scoped3A = tpu.sem_alloc : memref<!tpu.dma_semaphore, #tpu.memory_space<semaphore_mem>>
          %dma_start3A_122 = arith.constant 0 : i32
          %dma_start3A_123 = tpu.memref_slice %arg8[%add3A_70, %dma_start3A_122] : memref<40x128xi32, #tpu.memory_space<vmem>> -> memref<1x128xi32, #tpu.memory_space<vmem>>
          %dma_start3A_124 = tpu.memref_squeeze %dma_start3A_123 : memref<1x128xi32, #tpu.memory_space<vmem>> -> memref<128xi32, #tpu.memory_space<vmem>>
          %dma_start3A_125 = arith.constant 0 : i32
          %dma_start3A_126 = arith.constant 0 : i32
          %dma_start3A_127 = tpu.memref_slice %arg11[%dma_start3A_125, %dma_start3A_126] : memref<10240x128xf32, #tpu.memory_space<vmem_shared>> -> memref<10240x128xf32, #tpu.memory_space<vmem_shared>>
          tpu.enqueue_indirect_dma source(%arg9 : memref<128x128xf32, #tpu.memory_space<vmem>>) target(%dma_start3A_127 : memref<10240x128xf32, #tpu.memory_space<vmem_shared>>) offsets(%dma_start3A_124 : memref<128xi32, #tpu.memory_space<vmem>>) semaphore(%run_scoped3A : memref<!tpu.dma_semaphore, #tpu.memory_space<semaphore_mem>>) {add = true}
          %dma_wait3A_128 = arith.constant 0 : i32
          %dma_wait3A_129 = tpu.memref_slice %arg8[%add3A_70, %dma_wait3A_128] : memref<40x128xi32, #tpu.memory_space<vmem>> -> memref<1x128xi32, #tpu.memory_space<vmem>>
          %dma_wait3A_130 = tpu.memref_squeeze %dma_wait3A_129 : memref<1x128xi32, #tpu.memory_space<vmem>> -> memref<128xi32, #tpu.memory_space<vmem>>
          %dma_wait3A_131 = arith.constant 0 : i32
          %dma_wait3A_132 = arith.constant 0 : i32
          %dma_wait3A_133 = tpu.memref_slice %arg11[%dma_wait3A_131, %dma_wait3A_132] : memref<10240x128xf32, #tpu.memory_space<vmem_shared>> -> memref<10240x128xf32, #tpu.memory_space<vmem_shared>>
          tpu.wait_indirect_dma semaphore(%run_scoped3A : memref<!tpu.dma_semaphore, #tpu.memory_space<semaphore_mem>>) src(%arg9 : memref<128x128xf32, #tpu.memory_space<vmem>>) dst(%dma_wait3A_133 : memref<10240x128xf32, #tpu.memory_space<vmem_shared>>)
          tpu.yield
        }) : () -> ()
        %add3A_88 = arith.constant 2 : i32
        %add3A_89 = arith.addi %add3A_70, %add3A_88 : i32
        %lt3A_90 = arith.constant 40 : i32
        %lt3A_91 = arith.cmpi slt, %add3A_89, %lt3A_90 : i32
        %convert_element_type3A_92 = arith.extui %lt3A_91 : i1 to i32
        %cond3A_93 = arith.constant 0 : i32
        %cond3A_94 = arith.cmpi ne, %convert_element_type3A_92, %cond3A_93 : i32
        scf.if %cond3A_94 {
          %add3A_122 = arith.constant 2 : i32
          %add3A_123 = arith.addi %add3A_70, %add3A_122 : i32
          %dma_start3A_124 = arith.constant 0 : i32
          %dma_start3A_125 = arith.constant 0 : i32
          %dma_start3A_126 = tpu.memref_slice %arg9[%dma_start3A_124, %dma_start3A_125] : memref<128x128xf32, #tpu.memory_space<vmem>> -> memref<64x128xf32, #tpu.memory_space<vmem>>
          %dma_start3A_127 = arith.constant 0 : i32
          %dma_start3A_128 = tpu.memref_slice %arg7[%add3A_123, %dma_start3A_127] : memref<40x128xi32, #tpu.memory_space<vmem>> -> memref<1x64xi32, #tpu.memory_space<vmem>>
          %dma_start3A_129 = tpu.memref_squeeze %dma_start3A_128 : memref<1x64xi32, #tpu.memory_space<vmem>> -> memref<64xi32, #tpu.memory_space<vmem>>
          %dma_start3A_130 = arith.constant 0 : i32
          %dma_start3A_131 = arith.constant 0 : i32
          %dma_start3A_132 = tpu.memref_slice %arg2[%dma_start3A_130, %dma_start3A_131] : memref<10000x128xf32, #tpu.memory_space<hbm>> -> memref<10000x128xf32, #tpu.memory_space<hbm>>
          tpu.enqueue_indirect_dma source(%dma_start3A_132 : memref<10000x128xf32, #tpu.memory_space<hbm>>) target(%dma_start3A_126 : memref<64x128xf32, #tpu.memory_space<vmem>>) offsets(%dma_start3A_129 : memref<64xi32, #tpu.memory_space<vmem>>) semaphore(%arg12 : memref<!tpu.dma_semaphore, #tpu.memory_space<semaphore_mem>>)
          %dma_start3A_133 = arith.constant 64 : i32
          %dma_start3A_134 = arith.constant 0 : i32
          %dma_start3A_135 = tpu.memref_slice %arg9[%dma_start3A_133, %dma_start3A_134] : memref<128x128xf32, #tpu.memory_space<vmem>> -> memref<64x128xf32, #tpu.memory_space<vmem>>
          %dma_start3A_136 = arith.constant 64 : i32
          %dma_start3A_137 = tpu.memref_slice %arg7[%add3A_123, %dma_start3A_136] : memref<40x128xi32, #tpu.memory_space<vmem>> -> memref<1x64xi32, #tpu.memory_space<vmem>>
          %dma_start3A_138 = tpu.memref_squeeze %dma_start3A_137 : memref<1x64xi32, #tpu.memory_space<vmem>> -> memref<64xi32, #tpu.memory_space<vmem>>
          %dma_start3A_139 = arith.constant 0 : i32
          %dma_start3A_140 = arith.constant 0 : i32
          %dma_start3A_141 = tpu.memref_slice %arg2[%dma_start3A_139, %dma_start3A_140] : memref<10000x128xf32, #tpu.memory_space<hbm>> -> memref<10000x128xf32, #tpu.memory_space<hbm>>
          tpu.enqueue_indirect_dma source(%dma_start3A_141 : memref<10000x128xf32, #tpu.memory_space<hbm>>) target(%dma_start3A_135 : memref<64x128xf32, #tpu.memory_space<vmem>>) offsets(%dma_start3A_138 : memref<64xi32, #tpu.memory_space<vmem>>) semaphore(%arg12 : memref<!tpu.dma_semaphore, #tpu.memory_space<semaphore_mem>>)
        } else {
        }
        %add3A_95 = arith.constant 1 : i32
        %add3A_96 = arith.addi %add3A_68, %add3A_95 : i32
        %dma_wait3A_97 = arith.constant 0 : i32
        %dma_wait3A_98 = arith.constant 0 : i32
        %dma_wait3A_99 = tpu.memref_slice %arg10[%dma_wait3A_97, %dma_wait3A_98] : memref<128x128xf32, #tpu.memory_space<vmem>> -> memref<64x128xf32, #tpu.memory_space<vmem>>
        %dma_wait3A_100 = arith.constant 0 : i32
        %dma_wait3A_101 = tpu.memref_slice %arg7[%add3A_96, %dma_wait3A_100] : memref<40x128xi32, #tpu.memory_space<vmem>> -> memref<1x64xi32, #tpu.memory_space<vmem>>
        %dma_wait3A_102 = tpu.memref_squeeze %dma_wait3A_101 : memref<1x64xi32, #tpu.memory_space<vmem>> -> memref<64xi32, #tpu.memory_space<vmem>>
        %dma_wait3A_103 = arith.constant 0 : i32
        %dma_wait3A_104 = arith.constant 0 : i32
        %dma_wait3A_105 = tpu.memref_slice %arg2[%dma_wait3A_103, %dma_wait3A_104] : memref<10000x128xf32, #tpu.memory_space<hbm>> -> memref<10000x128xf32, #tpu.memory_space<hbm>>
        tpu.wait_indirect_dma semaphore(%arg13 : memref<!tpu.dma_semaphore, #tpu.memory_space<semaphore_mem>>) src(%dma_wait3A_105 : memref<10000x128xf32, #tpu.memory_space<hbm>>) dst(%dma_wait3A_99 : memref<64x128xf32, #tpu.memory_space<vmem>>)
        %dma_wait3A_106 = arith.constant 64 : i32
        %dma_wait3A_107 = arith.constant 0 : i32
        %dma_wait3A_108 = tpu.memref_slice %arg10[%dma_wait3A_106, %dma_wait3A_107] : memref<128x128xf32, #tpu.memory_space<vmem>> -> memref<64x128xf32, #tpu.memory_space<vmem>>
        %dma_wait3A_109 = arith.constant 64 : i32
        %dma_wait3A_110 = tpu.memref_slice %arg7[%add3A_96, %dma_wait3A_109] : memref<40x128xi32, #tpu.memory_space<vmem>> -> memref<1x64xi32, #tpu.memory_space<vmem>>
        %dma_wait3A_111 = tpu.memref_squeeze %dma_wait3A_110 : memref<1x64xi32, #tpu.memory_space<vmem>> -> memref<64xi32, #tpu.memory_space<vmem>>
        %dma_wait3A_112 = arith.constant 0 : i32
        %dma_wait3A_113 = arith.constant 0 : i32
        %dma_wait3A_114 = tpu.memref_slice %arg2[%dma_wait3A_112, %dma_wait3A_113] : memref<10000x128xf32, #tpu.memory_space<hbm>> -> memref<10000x128xf32, #tpu.memory_space<hbm>>
        tpu.wait_indirect_dma semaphore(%arg13 : memref<!tpu.dma_semaphore, #tpu.memory_space<semaphore_mem>>) src(%dma_wait3A_114 : memref<10000x128xf32, #tpu.memory_space<hbm>>) dst(%dma_wait3A_108 : memref<64x128xf32, #tpu.memory_space<vmem>>)
        "tpu.region"() ({
          %run_scoped3A = tpu.sem_alloc : memref<!tpu.dma_semaphore, #tpu.memory_space<semaphore_mem>>
          %dma_start3A_122 = arith.constant 0 : i32
          %dma_start3A_123 = tpu.memref_slice %arg8[%add3A_96, %dma_start3A_122] : memref<40x128xi32, #tpu.memory_space<vmem>> -> memref<1x128xi32, #tpu.memory_space<vmem>>
          %dma_start3A_124 = tpu.memref_squeeze %dma_start3A_123 : memref<1x128xi32, #tpu.memory_space<vmem>> -> memref<128xi32, #tpu.memory_space<vmem>>
          %dma_start3A_125 = arith.constant 0 : i32
          %dma_start3A_126 = arith.constant 0 : i32
          %dma_start3A_127 = tpu.memref_slice %arg11[%dma_start3A_125, %dma_start3A_126] : memref<10240x128xf32, #tpu.memory_space<vmem_shared>> -> memref<10240x128xf32, #tpu.memory_space<vmem_shared>>
          tpu.enqueue_indirect_dma source(%arg10 : memref<128x128xf32, #tpu.memory_space<vmem>>) target(%dma_start3A_127 : memref<10240x128xf32, #tpu.memory_space<vmem_shared>>) offsets(%dma_start3A_124 : memref<128xi32, #tpu.memory_space<vmem>>) semaphore(%run_scoped3A : memref<!tpu.dma_semaphore, #tpu.memory_space<semaphore_mem>>) {add = true}
          %dma_wait3A_128 = arith.constant 0 : i32
          %dma_wait3A_129 = tpu.memref_slice %arg8[%add3A_96, %dma_wait3A_128] : memref<40x128xi32, #tpu.memory_space<vmem>> -> memref<1x128xi32, #tpu.memory_space<vmem>>
          %dma_wait3A_130 = tpu.memref_squeeze %dma_wait3A_129 : memref<1x128xi32, #tpu.memory_space<vmem>> -> memref<128xi32, #tpu.memory_space<vmem>>
          %dma_wait3A_131 = arith.constant 0 : i32
          %dma_wait3A_132 = arith.constant 0 : i32
          %dma_wait3A_133 = tpu.memref_slice %arg11[%dma_wait3A_131, %dma_wait3A_132] : memref<10240x128xf32, #tpu.memory_space<vmem_shared>> -> memref<10240x128xf32, #tpu.memory_space<vmem_shared>>
          tpu.wait_indirect_dma semaphore(%run_scoped3A : memref<!tpu.dma_semaphore, #tpu.memory_space<semaphore_mem>>) src(%arg10 : memref<128x128xf32, #tpu.memory_space<vmem>>) dst(%dma_wait3A_133 : memref<10240x128xf32, #tpu.memory_space<vmem_shared>>)
          tpu.yield
        }) : () -> ()
        %add3A_115 = arith.constant 2 : i32
        %add3A_116 = arith.addi %add3A_96, %add3A_115 : i32
        %lt3A_117 = arith.constant 40 : i32
        %lt3A_118 = arith.cmpi slt, %add3A_116, %lt3A_117 : i32
        %convert_element_type3A_119 = arith.extui %lt3A_118 : i1 to i32
        %cond3A_120 = arith.constant 0 : i32
        %cond3A_121 = arith.cmpi ne, %convert_element_type3A_119, %cond3A_120 : i32
        scf.if %cond3A_121 {
          %add3A_122 = arith.constant 2 : i32
          %add3A_123 = arith.addi %add3A_96, %add3A_122 : i32
          %dma_start3A_124 = arith.constant 0 : i32
          %dma_start3A_125 = arith.constant 0 : i32
          %dma_start3A_126 = tpu.memref_slice %arg10[%dma_start3A_124, %dma_start3A_125] : memref<128x128xf32, #tpu.memory_space<vmem>> -> memref<64x128xf32, #tpu.memory_space<vmem>>
          %dma_start3A_127 = arith.constant 0 : i32
          %dma_start3A_128 = tpu.memref_slice %arg7[%add3A_123, %dma_start3A_127] : memref<40x128xi32, #tpu.memory_space<vmem>> -> memref<1x64xi32, #tpu.memory_space<vmem>>
          %dma_start3A_129 = tpu.memref_squeeze %dma_start3A_128 : memref<1x64xi32, #tpu.memory_space<vmem>> -> memref<64xi32, #tpu.memory_space<vmem>>
          %dma_start3A_130 = arith.constant 0 : i32
          %dma_start3A_131 = arith.constant 0 : i32
          %dma_start3A_132 = tpu.memref_slice %arg2[%dma_start3A_130, %dma_start3A_131] : memref<10000x128xf32, #tpu.memory_space<hbm>> -> memref<10000x128xf32, #tpu.memory_space<hbm>>
          tpu.enqueue_indirect_dma source(%dma_start3A_132 : memref<10000x128xf32, #tpu.memory_space<hbm>>) target(%dma_start3A_126 : memref<64x128xf32, #tpu.memory_space<vmem>>) offsets(%dma_start3A_129 : memref<64xi32, #tpu.memory_space<vmem>>) semaphore(%arg13 : memref<!tpu.dma_semaphore, #tpu.memory_space<semaphore_mem>>)
          %dma_start3A_133 = arith.constant 64 : i32
          %dma_start3A_134 = arith.constant 0 : i32
          %dma_start3A_135 = tpu.memref_slice %arg10[%dma_start3A_133, %dma_start3A_134] : memref<128x128xf32, #tpu.memory_space<vmem>> -> memref<64x128xf32, #tpu.memory_space<vmem>>
          %dma_start3A_136 = arith.constant 64 : i32
          %dma_start3A_137 = tpu.memref_slice %arg7[%add3A_123, %dma_start3A_136] : memref<40x128xi32, #tpu.memory_space<vmem>> -> memref<1x64xi32, #tpu.memory_space<vmem>>
          %dma_start3A_138 = tpu.memref_squeeze %dma_start3A_137 : memref<1x64xi32, #tpu.memory_space<vmem>> -> memref<64xi32, #tpu.memory_space<vmem>>
          %dma_start3A_139 = arith.constant 0 : i32
          %dma_start3A_140 = arith.constant 0 : i32
          %dma_start3A_141 = tpu.memref_slice %arg2[%dma_start3A_139, %dma_start3A_140] : memref<10000x128xf32, #tpu.memory_space<hbm>> -> memref<10000x128xf32, #tpu.memory_space<hbm>>
          tpu.enqueue_indirect_dma source(%dma_start3A_141 : memref<10000x128xf32, #tpu.memory_space<hbm>>) target(%dma_start3A_135 : memref<64x128xf32, #tpu.memory_space<vmem>>) offsets(%dma_start3A_138 : memref<64xi32, #tpu.memory_space<vmem>>) semaphore(%arg13 : memref<!tpu.dma_semaphore, #tpu.memory_space<semaphore_mem>>)
        } else {
        }
      }
      %scan3A_63 = arith.constant 20 : i32
    }
    %scan3A_6 = arith.constant 2 : i32
    %barrier3A_7 = arith.constant 0 : index
    tpu.barrier barrier_id(%barrier3A_7)
    %lt3A = arith.constant 10 : i32
    %lt3A_8 = arith.cmpi slt, %arg1, %lt3A : i32
    %convert_element_type3A = arith.extui %lt3A_8 : i1 to i32
    %cond3A = arith.constant 0 : i32
    %cond3A_9 = arith.cmpi ne, %convert_element_type3A, %cond3A : i32
    scf.if %cond3A_9 {
      %mul3A_10 = arith.constant 1000 : i32
      %mul3A_11 = arith.muli %arg1, %mul3A_10 : i32
      %mul3A_12 = arith.constant 1000 : i32
      %mul3A_13 = arith.muli %arg1, %mul3A_12 : i32
      "tpu.region"() ({
        %run_scoped3A = tpu.sem_alloc : memref<!tpu.dma_semaphore, #tpu.memory_space<semaphore_mem>>
        %dma_start3A = arith.constant 0 : i32
        %dma_start3A_14 = arith.constant 0 : i32
        %dma_start3A_15 = tpu.memref_slice %arg6[%arg0, %dma_start3A, %dma_start3A_14] : memref<2x10240x128xf32, #tpu.memory_space<hbm>> -> memref<1x10240x128xf32, #tpu.memory_space<hbm>>
        %dma_start3A_16 = tpu.memref_squeeze %dma_start3A_15 : memref<1x10240x128xf32, #tpu.memory_space<hbm>> -> memref<10240x128xf32, #tpu.memory_space<hbm>>
        %dma_start3A_17 = arith.constant 0 : i32
        %dma_start3A_18 = tpu.memref_slice %dma_start3A_16[%mul3A_13, %dma_start3A_17] : memref<10240x128xf32, #tpu.memory_space<hbm>> -> memref<1000x128xf32, #tpu.memory_space<hbm>>
        %dma_start3A_19 = arith.constant 0 : i32
        %dma_start3A_20 = tpu.memref_slice %arg11[%mul3A_11, %dma_start3A_19] : memref<10240x128xf32, #tpu.memory_space<vmem_shared>> -> memref<1000x128xf32, #tpu.memory_space<vmem_shared>>
        tpu.enqueue_dma source(%dma_start3A_20 : memref<1000x128xf32, #tpu.memory_space<vmem_shared>>) target(%dma_start3A_18 : memref<1000x128xf32, #tpu.memory_space<hbm>>) target_semaphore(%run_scoped3A : memref<!tpu.dma_semaphore, #tpu.memory_space<semaphore_mem>>)
        %dma_wait3A = arith.constant 0 : i32
        %dma_wait3A_21 = arith.constant 0 : i32
        %dma_wait3A_22 = tpu.memref_slice %arg6[%arg0, %dma_wait3A, %dma_wait3A_21] : memref<2x10240x128xf32, #tpu.memory_space<hbm>> -> memref<1x10240x128xf32, #tpu.memory_space<hbm>>
        %dma_wait3A_23 = tpu.memref_squeeze %dma_wait3A_22 : memref<1x10240x128xf32, #tpu.memory_space<hbm>> -> memref<10240x128xf32, #tpu.memory_space<hbm>>
        %dma_wait3A_24 = arith.constant 0 : i32
        %dma_wait3A_25 = tpu.memref_slice %dma_wait3A_23[%mul3A_13, %dma_wait3A_24] : memref<10240x128xf32, #tpu.memory_space<hbm>> -> memref<1000x128xf32, #tpu.memory_space<hbm>>
        %dma_wait3A_26 = arith.constant 0 : i32
        %dma_wait3A_27 = tpu.memref_slice %arg11[%mul3A_11, %dma_wait3A_26] : memref<10240x128xf32, #tpu.memory_space<vmem_shared>> -> memref<1000x128xf32, #tpu.memory_space<vmem_shared>>
        tpu.wait_dma2 semaphore(%run_scoped3A : memref<!tpu.dma_semaphore, #tpu.memory_space<semaphore_mem>>) src(%dma_wait3A_27 : memref<1000x128xf32, #tpu.memory_space<vmem_shared>>) dst(%dma_wait3A_25 : memref<1000x128xf32, #tpu.memory_space<hbm>>)
        tpu.yield
      }) : () -> ()
    } else {
    }
    return
  }
}

#map = affine_map<(d0, d1) -> (0, 0)>
#map1 = affine_map<(d0, d1) -> (0, 0, 0)>
module attributes {stable_mosaic.version = 14 : i64} {
  func.func @agg_kernel(%arg0: i32, %arg1: i32, %arg2: memref<10000x128xf32, #tpu.memory_space<hbm>>, %arg3: memref<2560x128xi32, #tpu.memory_space<hbm>>, %arg4: memref<2560x128xi32, #tpu.memory_space<hbm>>, %arg5: memref<640x128xf32, #tpu.memory_space<hbm>>, %arg6: memref<2x10240x128xf32, #tpu.memory_space<hbm>>, %arg7: memref<40x128xi32, #tpu.memory_space<vmem>>, %arg8: memref<40x128xi32, #tpu.memory_space<vmem>>, %arg9: memref<128x128xf32, #tpu.memory_space<vmem>>, %arg10: memref<128x128xf32, #tpu.memory_space<vmem>>, %arg11: memref<10240x128xf32, #tpu.memory_space<vmem_shared>>, %arg12: memref<!tpu.dma_semaphore, #tpu.memory_space<semaphore_mem>>, %arg13: memref<!tpu.dma_semaphore, #tpu.memory_space<semaphore_mem>>) attributes {dimension_semantics = [#tpu.dimension_semantics<core_parallel>, #tpu.dimension_semantics<subcore_parallel>], iteration_bounds = array<i64: 2, 16>, scalar_prefetch = 0 : i64, scratch_operands = 7 : i64, tpu.core_type = #tpu.core_type<sc_vector_subcore>, window_params = [{transform_indices = #map}, {transform_indices = #map}, {transform_indices = #map}, {transform_indices = #map}, {transform_indices = #map1}]} {
    %mul3A = arith.constant 2 : i32
    %mul3A_0 = arith.muli %arg1, %mul3A : i32
    %add3A = arith.addi %mul3A_0, %arg0 : i32
    %mul3A_1 = arith.constant 640 : i32
    %mul3A_2 = arith.muli %arg1, %mul3A_1 : i32
    "tpu.region"() ({
      %run_scoped3A = tpu.sem_alloc : memref<!tpu.dma_semaphore, #tpu.memory_space<semaphore_mem>>
      %dma_start3A = arith.constant 0 : i32
      %dma_start3A_10 = tpu.memref_slice %arg11[%mul3A_2, %dma_start3A] : memref<10240x128xf32, #tpu.memory_space<vmem_shared>> -> memref<640x128xf32, #tpu.memory_space<vmem_shared>>
      tpu.enqueue_dma source(%arg5 : memref<640x128xf32, #tpu.memory_space<hbm>>) target(%dma_start3A_10 : memref<640x128xf32, #tpu.memory_space<vmem_shared>>) target_semaphore(%run_scoped3A : memref<!tpu.dma_semaphore, #tpu.memory_space<semaphore_mem>>)
      %dma_wait3A = arith.constant 0 : i32
      %dma_wait3A_11 = tpu.memref_slice %arg11[%mul3A_2, %dma_wait3A] : memref<10240x128xf32, #tpu.memory_space<vmem_shared>> -> memref<640x128xf32, #tpu.memory_space<vmem_shared>>
      tpu.wait_dma2 semaphore(%run_scoped3A : memref<!tpu.dma_semaphore, #tpu.memory_space<semaphore_mem>>) src(%arg5 : memref<640x128xf32, #tpu.memory_space<hbm>>) dst(%dma_wait3A_11 : memref<640x128xf32, #tpu.memory_space<vmem_shared>>)
      tpu.yield
    }) : () -> ()
    %barrier3A = arith.constant 0 : index
    tpu.barrier barrier_id(%barrier3A)
    %scan3A = arith.constant 0 : i32
    %scan3A_3 = arith.constant 2 : i32
    %scan3A_4 = arith.addi %scan3A, %scan3A_3 : i32
    %scan3A_5 = arith.constant 1 : i32
    scf.for %scan3A_10 = %scan3A to %scan3A_4 step %scan3A_5  : i32 {
      %mul3A_11 = arith.constant 1 : i32
      %mul3A_12 = arith.muli %scan3A_10, %mul3A_11 : i32
      %add3A_13 = arith.constant 0 : i32
      %add3A_14 = arith.addi %add3A_13, %mul3A_12 : i32
      %mul3A_15 = arith.constant 80 : i32
      %mul3A_16 = arith.muli %add3A, %mul3A_15 : i32
      %mul3A_17 = arith.constant 40 : i32
      %mul3A_18 = arith.muli %add3A_14, %mul3A_17 : i32
      %add3A_19 = arith.addi %mul3A_16, %mul3A_18 : i32
      "tpu.region"() ({
        %run_scoped3A = tpu.sem_alloc : memref<!tpu.dma_semaphore, #tpu.memory_space<semaphore_mem>>
        %dma_start3A_64 = arith.constant 0 : i32
        %dma_start3A_65 = tpu.memref_slice %arg3[%add3A_19, %dma_start3A_64] : memref<2560x128xi32, #tpu.memory_space<hbm>> -> memref<40x128xi32, #tpu.memory_space<hbm>>
        %dma_start3A_66 = arith.constant 0 : i32
        %dma_start3A_67 = tpu.memref_slice %arg3[%add3A_19, %dma_start3A_66] : memref<2560x128xi32, #tpu.memory_space<hbm>> -> memref<40x128xi32, #tpu.memory_space<hbm>>
        tpu.enqueue_dma source(%dma_start3A_67 : memref<40x128xi32, #tpu.memory_space<hbm>>) target(%arg7 : memref<40x128xi32, #tpu.memory_space<vmem>>) target_semaphore(%run_scoped3A : memref<!tpu.dma_semaphore, #tpu.memory_space<semaphore_mem>>)
        %dma_wait3A = arith.constant 0 : i32
        %dma_wait3A_68 = tpu.memref_slice %arg3[%add3A_19, %dma_wait3A] : memref<2560x128xi32, #tpu.memory_space<hbm>> -> memref<40x128xi32, #tpu.memory_space<hbm>>
        %dma_wait3A_69 = arith.constant 0 : i32
        %dma_wait3A_70 = tpu.memref_slice %arg3[%add3A_19, %dma_wait3A_69] : memref<2560x128xi32, #tpu.memory_space<hbm>> -> memref<40x128xi32, #tpu.memory_space<hbm>>
        tpu.wait_dma2 semaphore(%run_scoped3A : memref<!tpu.dma_semaphore, #tpu.memory_space<semaphore_mem>>) src(%dma_wait3A_70 : memref<40x128xi32, #tpu.memory_space<hbm>>) dst(%arg7 : memref<40x128xi32, #tpu.memory_space<vmem>>)
        tpu.yield
      }) : () -> ()
      "tpu.region"() ({
        %run_scoped3A = tpu.sem_alloc : memref<!tpu.dma_semaphore, #tpu.memory_space<semaphore_mem>>
        %dma_start3A_64 = arith.constant 0 : i32
        %dma_start3A_65 = tpu.memref_slice %arg4[%add3A_19, %dma_start3A_64] : memref<2560x128xi32, #tpu.memory_space<hbm>> -> memref<40x128xi32, #tpu.memory_space<hbm>>
        %dma_start3A_66 = arith.constant 0 : i32
        %dma_start3A_67 = tpu.memref_slice %arg4[%add3A_19, %dma_start3A_66] : memref<2560x128xi32, #tpu.memory_space<hbm>> -> memref<40x128xi32, #tpu.memory_space<hbm>>
        tpu.enqueue_dma source(%dma_start3A_67 : memref<40x128xi32, #tpu.memory_space<hbm>>) target(%arg8 : memref<40x128xi32, #tpu.memory_space<vmem>>) target_semaphore(%run_scoped3A : memref<!tpu.dma_semaphore, #tpu.memory_space<semaphore_mem>>)
        %dma_wait3A = arith.constant 0 : i32
        %dma_wait3A_68 = tpu.memref_slice %arg4[%add3A_19, %dma_wait3A] : memref<2560x128xi32, #tpu.memory_space<hbm>> -> memref<40x128xi32, #tpu.memory_space<hbm>>
        %dma_wait3A_69 = arith.constant 0 : i32
        %dma_wait3A_70 = tpu.memref_slice %arg4[%add3A_19, %dma_wait3A_69] : memref<2560x128xi32, #tpu.memory_space<hbm>> -> memref<40x128xi32, #tpu.memory_space<hbm>>
        tpu.wait_dma2 semaphore(%run_scoped3A : memref<!tpu.dma_semaphore, #tpu.memory_space<semaphore_mem>>) src(%dma_wait3A_70 : memref<40x128xi32, #tpu.memory_space<hbm>>) dst(%arg8 : memref<40x128xi32, #tpu.memory_space<vmem>>)
        tpu.yield
      }) : () -> ()
      %dma_start3A = arith.constant 0 : i32
      %dma_start3A_20 = arith.constant 0 : i32
      %dma_start3A_21 = arith.constant 0 : i32
      %dma_start3A_22 = tpu.memref_slice %arg9[%dma_start3A_20, %dma_start3A_21] : memref<128x128xf32, #tpu.memory_space<vmem>> -> memref<64x128xf32, #tpu.memory_space<vmem>>
      %dma_start3A_23 = arith.constant 0 : i32
      %dma_start3A_24 = tpu.memref_slice %arg7[%dma_start3A, %dma_start3A_23] : memref<40x128xi32, #tpu.memory_space<vmem>> -> memref<1x64xi32, #tpu.memory_space<vmem>>
      %dma_start3A_25 = tpu.memref_squeeze %dma_start3A_24 : memref<1x64xi32, #tpu.memory_space<vmem>> -> memref<64xi32, #tpu.memory_space<vmem>>
      %dma_start3A_26 = arith.constant 0 : i32
      %dma_start3A_27 = arith.constant 0 : i32
      %dma_start3A_28 = tpu.memref_slice %arg2[%dma_start3A_26, %dma_start3A_27] : memref<10000x128xf32, #tpu.memory_space<hbm>> -> memref<10000x128xf32, #tpu.memory_space<hbm>>
      tpu.enqueue_indirect_dma source(%dma_start3A_28 : memref<10000x128xf32, #tpu.memory_space<hbm>>) target(%dma_start3A_22 : memref<64x128xf32, #tpu.memory_space<vmem>>) offsets(%dma_start3A_25 : memref<64xi32, #tpu.memory_space<vmem>>) semaphore(%arg12 : memref<!tpu.dma_semaphore, #tpu.memory_space<semaphore_mem>>)
      %dma_start3A_29 = arith.constant 0 : i32
      %dma_start3A_30 = arith.constant 64 : i32
      %dma_start3A_31 = arith.constant 0 : i32
      %dma_start3A_32 = tpu.memref_slice %arg9[%dma_start3A_30, %dma_start3A_31] : memref<128x128xf32, #tpu.memory_space<vmem>> -> memref<64x128xf32, #tpu.memory_space<vmem>>
      %dma_start3A_33 = arith.constant 64 : i32
      %dma_start3A_34 = tpu.memref_slice %arg7[%dma_start3A_29, %dma_start3A_33] : memref<40x128xi32, #tpu.memory_space<vmem>> -> memref<1x64xi32, #tpu.memory_space<vmem>>
      %dma_start3A_35 = tpu.memref_squeeze %dma_start3A_34 : memref<1x64xi32, #tpu.memory_space<vmem>> -> memref<64xi32, #tpu.memory_space<vmem>>
      %dma_start3A_36 = arith.constant 0 : i32
      %dma_start3A_37 = arith.constant 0 : i32
      %dma_start3A_38 = tpu.memref_slice %arg2[%dma_start3A_36, %dma_start3A_37] : memref<10000x128xf32, #tpu.memory_space<hbm>> -> memref<10000x128xf32, #tpu.memory_space<hbm>>
      tpu.enqueue_indirect_dma source(%dma_start3A_38 : memref<10000x128xf32, #tpu.memory_space<hbm>>) target(%dma_start3A_32 : memref<64x128xf32, #tpu.memory_space<vmem>>) offsets(%dma_start3A_35 : memref<64xi32, #tpu.memory_space<vmem>>) semaphore(%arg12 : memref<!tpu.dma_semaphore, #tpu.memory_space<semaphore_mem>>)
      %dma_start3A_39 = arith.constant 1 : i32
      %dma_start3A_40 = arith.constant 0 : i32
      %dma_start3A_41 = arith.constant 0 : i32
      %dma_start3A_42 = tpu.memref_slice %arg10[%dma_start3A_40, %dma_start3A_41] : memref<128x128xf32, #tpu.memory_space<vmem>> -> memref<64x128xf32, #tpu.memory_space<vmem>>
      %dma_start3A_43 = arith.constant 0 : i32
      %dma_start3A_44 = tpu.memref_slice %arg7[%dma_start3A_39, %dma_start3A_43] : memref<40x128xi32, #tpu.memory_space<vmem>> -> memref<1x64xi32, #tpu.memory_space<vmem>>
      %dma_start3A_45 = tpu.memref_squeeze %dma_start3A_44 : memref<1x64xi32, #tpu.memory_space<vmem>> -> memref<64xi32, #tpu.memory_space<vmem>>
      %dma_start3A_46 = arith.constant 0 : i32
      %dma_start3A_47 = arith.constant 0 : i32
      %dma_start3A_48 = tpu.memref_slice %arg2[%dma_start3A_46, %dma_start3A_47] : memref<10000x128xf32, #tpu.memory_space<hbm>> -> memref<10000x128xf32, #tpu.memory_space<hbm>>
      tpu.enqueue_indirect_dma source(%dma_start3A_48 : memref<10000x128xf32, #tpu.memory_space<hbm>>) target(%dma_start3A_42 : memref<64x128xf32, #tpu.memory_space<vmem>>) offsets(%dma_start3A_45 : memref<64xi32, #tpu.memory_space<vmem>>) semaphore(%arg13 : memref<!tpu.dma_semaphore, #tpu.memory_space<semaphore_mem>>)
      %dma_start3A_49 = arith.constant 1 : i32
      %dma_start3A_50 = arith.constant 64 : i32
      %dma_start3A_51 = arith.constant 0 : i32
      %dma_start3A_52 = tpu.memref_slice %arg10[%dma_start3A_50, %dma_start3A_51] : memref<128x128xf32, #tpu.memory_space<vmem>> -> memref<64x128xf32, #tpu.memory_space<vmem>>
      %dma_start3A_53 = arith.constant 64 : i32
      %dma_start3A_54 = tpu.memref_slice %arg7[%dma_start3A_49, %dma_start3A_53] : memref<40x128xi32, #tpu.memory_space<vmem>> -> memref<1x64xi32, #tpu.memory_space<vmem>>
      %dma_start3A_55 = tpu.memref_squeeze %dma_start3A_54 : memref<1x64xi32, #tpu.memory_space<vmem>> -> memref<64xi32, #tpu.memory_space<vmem>>
      %dma_start3A_56 = arith.constant 0 : i32
      %dma_start3A_57 = arith.constant 0 : i32
      %dma_start3A_58 = tpu.memref_slice %arg2[%dma_start3A_56, %dma_start3A_57] : memref<10000x128xf32, #tpu.memory_space<hbm>> -> memref<10000x128xf32, #tpu.memory_space<hbm>>
      tpu.enqueue_indirect_dma source(%dma_start3A_58 : memref<10000x128xf32, #tpu.memory_space<hbm>>) target(%dma_start3A_52 : memref<64x128xf32, #tpu.memory_space<vmem>>) offsets(%dma_start3A_55 : memref<64xi32, #tpu.memory_space<vmem>>) semaphore(%arg13 : memref<!tpu.dma_semaphore, #tpu.memory_space<semaphore_mem>>)
      %scan3A_59 = arith.constant 0 : i32
      %scan3A_60 = arith.constant 20 : i32
      %scan3A_61 = arith.addi %scan3A_59, %scan3A_60 : i32
      %scan3A_62 = arith.constant 1 : i32
      scf.for %scan3A_64 = %scan3A_59 to %scan3A_61 step %scan3A_62  : i32 {
        %mul3A_65 = arith.constant 2 : i32
        %mul3A_66 = arith.muli %scan3A_64, %mul3A_65 : i32
        %add3A_67 = arith.constant 0 : i32
        %add3A_68 = arith.addi %add3A_67, %mul3A_66 : i32
        %add3A_69 = arith.constant 0 : i32
        %add3A_70 = arith.addi %add3A_68, %add3A_69 : i32
        %dma_wait3A = arith.constant 0 : i32
        %dma_wait3A_71 = arith.constant 0 : i32
        %dma_wait3A_72 = tpu.memref_slice %arg9[%dma_wait3A, %dma_wait3A_71] : memref<128x128xf32, #tpu.memory_space<vmem>> -> memref<64x128xf32, #tpu.memory_space<vmem>>
        %dma_wait3A_73 = arith.constant 0 : i32
        %dma_wait3A_74 = tpu.memref_slice %arg7[%add3A_70, %dma_wait3A_73] : memref<40x128xi32, #tpu.memory_space<vmem>> -> memref<1x64xi32, #tpu.memory_space<vmem>>
        %dma_wait3A_75 = tpu.memref_squeeze %dma_wait3A_74 : memref<1x64xi32, #tpu.memory_space<vmem>> -> memref<64xi32, #tpu.memory_space<vmem>>
        %dma_wait3A_76 = arith.constant 0 : i32
        %dma_wait3A_77 = arith.constant 0 : i32
        %dma_wait3A_78 = tpu.memref_slice %arg2[%dma_wait3A_76, %dma_wait3A_77] : memref<10000x128xf32, #tpu.memory_space<hbm>> -> memref<10000x128xf32, #tpu.memory_space<hbm>>
        tpu.wait_indirect_dma semaphore(%arg12 : memref<!tpu.dma_semaphore, #tpu.memory_space<semaphore_mem>>) src(%dma_wait3A_78 : memref<10000x128xf32, #tpu.memory_space<hbm>>) dst(%dma_wait3A_72 : memref<64x128xf32, #tpu.memory_space<vmem>>)
        %dma_wait3A_79 = arith.constant 64 : i32
        %dma_wait3A_80 = arith.constant 0 : i32
        %dma_wait3A_81 = tpu.memref_slice %arg9[%dma_wait3A_79, %dma_wait3A_80] : memref<128x128xf32, #tpu.memory_space<vmem>> -> memref<64x128xf32, #tpu.memory_space<vmem>>
        %dma_wait3A_82 = arith.constant 64 : i32
        %dma_wait3A_83 = tpu.memref_slice %arg7[%add3A_70, %dma_wait3A_82] : memref<40x128xi32, #tpu.memory_space<vmem>> -> memref<1x64xi32, #tpu.memory_space<vmem>>
        %dma_wait3A_84 = tpu.memref_squeeze %dma_wait3A_83 : memref<1x64xi32, #tpu.memory_space<vmem>> -> memref<64xi32, #tpu.memory_space<vmem>>
        %dma_wait3A_85 = arith.constant 0 : i32
        %dma_wait3A_86 = arith.constant 0 : i32
        %dma_wait3A_87 = tpu.memref_slice %arg2[%dma_wait3A_85, %dma_wait3A_86] : memref<10000x128xf32, #tpu.memory_space<hbm>> -> memref<10000x128xf32, #tpu.memory_space<hbm>>
        tpu.wait_indirect_dma semaphore(%arg12 : memref<!tpu.dma_semaphore, #tpu.memory_space<semaphore_mem>>) src(%dma_wait3A_87 : memref<10000x128xf32, #tpu.memory_space<hbm>>) dst(%dma_wait3A_81 : memref<64x128xf32, #tpu.memory_space<vmem>>)
        "tpu.region"() ({
          %run_scoped3A = tpu.sem_alloc : memref<!tpu.dma_semaphore, #tpu.memory_space<semaphore_mem>>
          %dma_start3A_122 = arith.constant 0 : i32
          %dma_start3A_123 = tpu.memref_slice %arg8[%add3A_70, %dma_start3A_122] : memref<40x128xi32, #tpu.memory_space<vmem>> -> memref<1x128xi32, #tpu.memory_space<vmem>>
          %dma_start3A_124 = tpu.memref_squeeze %dma_start3A_123 : memref<1x128xi32, #tpu.memory_space<vmem>> -> memref<128xi32, #tpu.memory_space<vmem>>
          %dma_start3A_125 = arith.constant 0 : i32
          %dma_start3A_126 = arith.constant 0 : i32
          %dma_start3A_127 = tpu.memref_slice %arg11[%dma_start3A_125, %dma_start3A_126] : memref<10240x128xf32, #tpu.memory_space<vmem_shared>> -> memref<10240x128xf32, #tpu.memory_space<vmem_shared>>
          tpu.enqueue_indirect_dma source(%arg9 : memref<128x128xf32, #tpu.memory_space<vmem>>) target(%dma_start3A_127 : memref<10240x128xf32, #tpu.memory_space<vmem_shared>>) offsets(%dma_start3A_124 : memref<128xi32, #tpu.memory_space<vmem>>) semaphore(%run_scoped3A : memref<!tpu.dma_semaphore, #tpu.memory_space<semaphore_mem>>) {add = true}
          %dma_wait3A_128 = arith.constant 0 : i32
          %dma_wait3A_129 = tpu.memref_slice %arg8[%add3A_70, %dma_wait3A_128] : memref<40x128xi32, #tpu.memory_space<vmem>> -> memref<1x128xi32, #tpu.memory_space<vmem>>
          %dma_wait3A_130 = tpu.memref_squeeze %dma_wait3A_129 : memref<1x128xi32, #tpu.memory_space<vmem>> -> memref<128xi32, #tpu.memory_space<vmem>>
          %dma_wait3A_131 = arith.constant 0 : i32
          %dma_wait3A_132 = arith.constant 0 : i32
          %dma_wait3A_133 = tpu.memref_slice %arg11[%dma_wait3A_131, %dma_wait3A_132] : memref<10240x128xf32, #tpu.memory_space<vmem_shared>> -> memref<10240x128xf32, #tpu.memory_space<vmem_shared>>
          tpu.wait_indirect_dma semaphore(%run_scoped3A : memref<!tpu.dma_semaphore, #tpu.memory_space<semaphore_mem>>) src(%arg9 : memref<128x128xf32, #tpu.memory_space<vmem>>) dst(%dma_wait3A_133 : memref<10240x128xf32, #tpu.memory_space<vmem_shared>>)
          tpu.yield
        }) : () -> ()
        %add3A_88 = arith.constant 2 : i32
        %add3A_89 = arith.addi %add3A_70, %add3A_88 : i32
        %lt3A_90 = arith.constant 40 : i32
        %lt3A_91 = arith.cmpi slt, %add3A_89, %lt3A_90 : i32
        %convert_element_type3A_92 = arith.extui %lt3A_91 : i1 to i32
        %cond3A_93 = arith.constant 0 : i32
        %cond3A_94 = arith.cmpi ne, %convert_element_type3A_92, %cond3A_93 : i32
        scf.if %cond3A_94 {
          %add3A_122 = arith.constant 2 : i32
          %add3A_123 = arith.addi %add3A_70, %add3A_122 : i32
          %dma_start3A_124 = arith.constant 0 : i32
          %dma_start3A_125 = arith.constant 0 : i32
          %dma_start3A_126 = tpu.memref_slice %arg9[%dma_start3A_124, %dma_start3A_125] : memref<128x128xf32, #tpu.memory_space<vmem>> -> memref<64x128xf32, #tpu.memory_space<vmem>>
          %dma_start3A_127 = arith.constant 0 : i32
          %dma_start3A_128 = tpu.memref_slice %arg7[%add3A_123, %dma_start3A_127] : memref<40x128xi32, #tpu.memory_space<vmem>> -> memref<1x64xi32, #tpu.memory_space<vmem>>
          %dma_start3A_129 = tpu.memref_squeeze %dma_start3A_128 : memref<1x64xi32, #tpu.memory_space<vmem>> -> memref<64xi32, #tpu.memory_space<vmem>>
          %dma_start3A_130 = arith.constant 0 : i32
          %dma_start3A_131 = arith.constant 0 : i32
          %dma_start3A_132 = tpu.memref_slice %arg2[%dma_start3A_130, %dma_start3A_131] : memref<10000x128xf32, #tpu.memory_space<hbm>> -> memref<10000x128xf32, #tpu.memory_space<hbm>>
          tpu.enqueue_indirect_dma source(%dma_start3A_132 : memref<10000x128xf32, #tpu.memory_space<hbm>>) target(%dma_start3A_126 : memref<64x128xf32, #tpu.memory_space<vmem>>) offsets(%dma_start3A_129 : memref<64xi32, #tpu.memory_space<vmem>>) semaphore(%arg12 : memref<!tpu.dma_semaphore, #tpu.memory_space<semaphore_mem>>)
          %dma_start3A_133 = arith.constant 64 : i32
          %dma_start3A_134 = arith.constant 0 : i32
          %dma_start3A_135 = tpu.memref_slice %arg9[%dma_start3A_133, %dma_start3A_134] : memref<128x128xf32, #tpu.memory_space<vmem>> -> memref<64x128xf32, #tpu.memory_space<vmem>>
          %dma_start3A_136 = arith.constant 64 : i32
          %dma_start3A_137 = tpu.memref_slice %arg7[%add3A_123, %dma_start3A_136] : memref<40x128xi32, #tpu.memory_space<vmem>> -> memref<1x64xi32, #tpu.memory_space<vmem>>
          %dma_start3A_138 = tpu.memref_squeeze %dma_start3A_137 : memref<1x64xi32, #tpu.memory_space<vmem>> -> memref<64xi32, #tpu.memory_space<vmem>>
          %dma_start3A_139 = arith.constant 0 : i32
          %dma_start3A_140 = arith.constant 0 : i32
          %dma_start3A_141 = tpu.memref_slice %arg2[%dma_start3A_139, %dma_start3A_140] : memref<10000x128xf32, #tpu.memory_space<hbm>> -> memref<10000x128xf32, #tpu.memory_space<hbm>>
          tpu.enqueue_indirect_dma source(%dma_start3A_141 : memref<10000x128xf32, #tpu.memory_space<hbm>>) target(%dma_start3A_135 : memref<64x128xf32, #tpu.memory_space<vmem>>) offsets(%dma_start3A_138 : memref<64xi32, #tpu.memory_space<vmem>>) semaphore(%arg12 : memref<!tpu.dma_semaphore, #tpu.memory_space<semaphore_mem>>)
        } else {
        }
        %add3A_95 = arith.constant 1 : i32
        %add3A_96 = arith.addi %add3A_68, %add3A_95 : i32
        %dma_wait3A_97 = arith.constant 0 : i32
        %dma_wait3A_98 = arith.constant 0 : i32
        %dma_wait3A_99 = tpu.memref_slice %arg10[%dma_wait3A_97, %dma_wait3A_98] : memref<128x128xf32, #tpu.memory_space<vmem>> -> memref<64x128xf32, #tpu.memory_space<vmem>>
        %dma_wait3A_100 = arith.constant 0 : i32
        %dma_wait3A_101 = tpu.memref_slice %arg7[%add3A_96, %dma_wait3A_100] : memref<40x128xi32, #tpu.memory_space<vmem>> -> memref<1x64xi32, #tpu.memory_space<vmem>>
        %dma_wait3A_102 = tpu.memref_squeeze %dma_wait3A_101 : memref<1x64xi32, #tpu.memory_space<vmem>> -> memref<64xi32, #tpu.memory_space<vmem>>
        %dma_wait3A_103 = arith.constant 0 : i32
        %dma_wait3A_104 = arith.constant 0 : i32
        %dma_wait3A_105 = tpu.memref_slice %arg2[%dma_wait3A_103, %dma_wait3A_104] : memref<10000x128xf32, #tpu.memory_space<hbm>> -> memref<10000x128xf32, #tpu.memory_space<hbm>>
        tpu.wait_indirect_dma semaphore(%arg13 : memref<!tpu.dma_semaphore, #tpu.memory_space<semaphore_mem>>) src(%dma_wait3A_105 : memref<10000x128xf32, #tpu.memory_space<hbm>>) dst(%dma_wait3A_99 : memref<64x128xf32, #tpu.memory_space<vmem>>)
        %dma_wait3A_106 = arith.constant 64 : i32
        %dma_wait3A_107 = arith.constant 0 : i32
        %dma_wait3A_108 = tpu.memref_slice %arg10[%dma_wait3A_106, %dma_wait3A_107] : memref<128x128xf32, #tpu.memory_space<vmem>> -> memref<64x128xf32, #tpu.memory_space<vmem>>
        %dma_wait3A_109 = arith.constant 64 : i32
        %dma_wait3A_110 = tpu.memref_slice %arg7[%add3A_96, %dma_wait3A_109] : memref<40x128xi32, #tpu.memory_space<vmem>> -> memref<1x64xi32, #tpu.memory_space<vmem>>
        %dma_wait3A_111 = tpu.memref_squeeze %dma_wait3A_110 : memref<1x64xi32, #tpu.memory_space<vmem>> -> memref<64xi32, #tpu.memory_space<vmem>>
        %dma_wait3A_112 = arith.constant 0 : i32
        %dma_wait3A_113 = arith.constant 0 : i32
        %dma_wait3A_114 = tpu.memref_slice %arg2[%dma_wait3A_112, %dma_wait3A_113] : memref<10000x128xf32, #tpu.memory_space<hbm>> -> memref<10000x128xf32, #tpu.memory_space<hbm>>
        tpu.wait_indirect_dma semaphore(%arg13 : memref<!tpu.dma_semaphore, #tpu.memory_space<semaphore_mem>>) src(%dma_wait3A_114 : memref<10000x128xf32, #tpu.memory_space<hbm>>) dst(%dma_wait3A_108 : memref<64x128xf32, #tpu.memory_space<vmem>>)
        "tpu.region"() ({
          %run_scoped3A = tpu.sem_alloc : memref<!tpu.dma_semaphore, #tpu.memory_space<semaphore_mem>>
          %dma_start3A_122 = arith.constant 0 : i32
          %dma_start3A_123 = tpu.memref_slice %arg8[%add3A_96, %dma_start3A_122] : memref<40x128xi32, #tpu.memory_space<vmem>> -> memref<1x128xi32, #tpu.memory_space<vmem>>
          %dma_start3A_124 = tpu.memref_squeeze %dma_start3A_123 : memref<1x128xi32, #tpu.memory_space<vmem>> -> memref<128xi32, #tpu.memory_space<vmem>>
          %dma_start3A_125 = arith.constant 0 : i32
          %dma_start3A_126 = arith.constant 0 : i32
          %dma_start3A_127 = tpu.memref_slice %arg11[%dma_start3A_125, %dma_start3A_126] : memref<10240x128xf32, #tpu.memory_space<vmem_shared>> -> memref<10240x128xf32, #tpu.memory_space<vmem_shared>>
          tpu.enqueue_indirect_dma source(%arg10 : memref<128x128xf32, #tpu.memory_space<vmem>>) target(%dma_start3A_127 : memref<10240x128xf32, #tpu.memory_space<vmem_shared>>) offsets(%dma_start3A_124 : memref<128xi32, #tpu.memory_space<vmem>>) semaphore(%run_scoped3A : memref<!tpu.dma_semaphore, #tpu.memory_space<semaphore_mem>>) {add = true}
          %dma_wait3A_128 = arith.constant 0 : i32
          %dma_wait3A_129 = tpu.memref_slice %arg8[%add3A_96, %dma_wait3A_128] : memref<40x128xi32, #tpu.memory_space<vmem>> -> memref<1x128xi32, #tpu.memory_space<vmem>>
          %dma_wait3A_130 = tpu.memref_squeeze %dma_wait3A_129 : memref<1x128xi32, #tpu.memory_space<vmem>> -> memref<128xi32, #tpu.memory_space<vmem>>
          %dma_wait3A_131 = arith.constant 0 : i32
          %dma_wait3A_132 = arith.constant 0 : i32
          %dma_wait3A_133 = tpu.memref_slice %arg11[%dma_wait3A_131, %dma_wait3A_132] : memref<10240x128xf32, #tpu.memory_space<vmem_shared>> -> memref<10240x128xf32, #tpu.memory_space<vmem_shared>>
          tpu.wait_indirect_dma semaphore(%run_scoped3A : memref<!tpu.dma_semaphore, #tpu.memory_space<semaphore_mem>>) src(%arg10 : memref<128x128xf32, #tpu.memory_space<vmem>>) dst(%dma_wait3A_133 : memref<10240x128xf32, #tpu.memory_space<vmem_shared>>)
          tpu.yield
        }) : () -> ()
        %add3A_115 = arith.constant 2 : i32
        %add3A_116 = arith.addi %add3A_96, %add3A_115 : i32
        %lt3A_117 = arith.constant 40 : i32
        %lt3A_118 = arith.cmpi slt, %add3A_116, %lt3A_117 : i32
        %convert_element_type3A_119 = arith.extui %lt3A_118 : i1 to i32
        %cond3A_120 = arith.constant 0 : i32
        %cond3A_121 = arith.cmpi ne, %convert_element_type3A_119, %cond3A_120 : i32
        scf.if %cond3A_121 {
          %add3A_122 = arith.constant 2 : i32
          %add3A_123 = arith.addi %add3A_96, %add3A_122 : i32
          %dma_start3A_124 = arith.constant 0 : i32
          %dma_start3A_125 = arith.constant 0 : i32
          %dma_start3A_126 = tpu.memref_slice %arg10[%dma_start3A_124, %dma_start3A_125] : memref<128x128xf32, #tpu.memory_space<vmem>> -> memref<64x128xf32, #tpu.memory_space<vmem>>
          %dma_start3A_127 = arith.constant 0 : i32
          %dma_start3A_128 = tpu.memref_slice %arg7[%add3A_123, %dma_start3A_127] : memref<40x128xi32, #tpu.memory_space<vmem>> -> memref<1x64xi32, #tpu.memory_space<vmem>>
          %dma_start3A_129 = tpu.memref_squeeze %dma_start3A_128 : memref<1x64xi32, #tpu.memory_space<vmem>> -> memref<64xi32, #tpu.memory_space<vmem>>
          %dma_start3A_130 = arith.constant 0 : i32
          %dma_start3A_131 = arith.constant 0 : i32
          %dma_start3A_132 = tpu.memref_slice %arg2[%dma_start3A_130, %dma_start3A_131] : memref<10000x128xf32, #tpu.memory_space<hbm>> -> memref<10000x128xf32, #tpu.memory_space<hbm>>
          tpu.enqueue_indirect_dma source(%dma_start3A_132 : memref<10000x128xf32, #tpu.memory_space<hbm>>) target(%dma_start3A_126 : memref<64x128xf32, #tpu.memory_space<vmem>>) offsets(%dma_start3A_129 : memref<64xi32, #tpu.memory_space<vmem>>) semaphore(%arg13 : memref<!tpu.dma_semaphore, #tpu.memory_space<semaphore_mem>>)
          %dma_start3A_133 = arith.constant 64 : i32
          %dma_start3A_134 = arith.constant 0 : i32
          %dma_start3A_135 = tpu.memref_slice %arg10[%dma_start3A_133, %dma_start3A_134] : memref<128x128xf32, #tpu.memory_space<vmem>> -> memref<64x128xf32, #tpu.memory_space<vmem>>
          %dma_start3A_136 = arith.constant 64 : i32
          %dma_start3A_137 = tpu.memref_slice %arg7[%add3A_123, %dma_start3A_136] : memref<40x128xi32, #tpu.memory_space<vmem>> -> memref<1x64xi32, #tpu.memory_space<vmem>>
          %dma_start3A_138 = tpu.memref_squeeze %dma_start3A_137 : memref<1x64xi32, #tpu.memory_space<vmem>> -> memref<64xi32, #tpu.memory_space<vmem>>
          %dma_start3A_139 = arith.constant 0 : i32
          %dma_start3A_140 = arith.constant 0 : i32
          %dma_start3A_141 = tpu.memref_slice %arg2[%dma_start3A_139, %dma_start3A_140] : memref<10000x128xf32, #tpu.memory_space<hbm>> -> memref<10000x128xf32, #tpu.memory_space<hbm>>
          tpu.enqueue_indirect_dma source(%dma_start3A_141 : memref<10000x128xf32, #tpu.memory_space<hbm>>) target(%dma_start3A_135 : memref<64x128xf32, #tpu.memory_space<vmem>>) offsets(%dma_start3A_138 : memref<64xi32, #tpu.memory_space<vmem>>) semaphore(%arg13 : memref<!tpu.dma_semaphore, #tpu.memory_space<semaphore_mem>>)
        } else {
        }
      }
      %scan3A_63 = arith.constant 20 : i32
    }
    %scan3A_6 = arith.constant 2 : i32
    %barrier3A_7 = arith.constant 0 : index
    tpu.barrier barrier_id(%barrier3A_7)
    %lt3A = arith.constant 10 : i32
    %lt3A_8 = arith.cmpi slt, %arg1, %lt3A : i32
    %convert_element_type3A = arith.extui %lt3A_8 : i1 to i32
    %cond3A = arith.constant 0 : i32
    %cond3A_9 = arith.cmpi ne, %convert_element_type3A, %cond3A : i32
    scf.if %cond3A_9 {
      %mul3A_10 = arith.constant 1000 : i32
      %mul3A_11 = arith.muli %arg1, %mul3A_10 : i32
      %mul3A_12 = arith.constant 1000 : i32
      %mul3A_13 = arith.muli %arg1, %mul3A_12 : i32
      "tpu.region"() ({
        %run_scoped3A = tpu.sem_alloc : memref<!tpu.dma_semaphore, #tpu.memory_space<semaphore_mem>>
        %dma_start3A = arith.constant 0 : i32
        %dma_start3A_14 = arith.constant 0 : i32
        %dma_start3A_15 = tpu.memref_slice %arg6[%arg0, %dma_start3A, %dma_start3A_14] : memref<2x10240x128xf32, #tpu.memory_space<hbm>> -> memref<1x10240x128xf32, #tpu.memory_space<hbm>>
        %dma_start3A_16 = tpu.memref_squeeze %dma_start3A_15 : memref<1x10240x128xf32, #tpu.memory_space<hbm>> -> memref<10240x128xf32, #tpu.memory_space<hbm>>
        %dma_start3A_17 = arith.constant 0 : i32
        %dma_start3A_18 = tpu.memref_slice %dma_start3A_16[%mul3A_13, %dma_start3A_17] : memref<10240x128xf32, #tpu.memory_space<hbm>> -> memref<1000x128xf32, #tpu.memory_space<hbm>>
        %dma_start3A_19 = arith.constant 0 : i32
        %dma_start3A_20 = tpu.memref_slice %arg11[%mul3A_11, %dma_start3A_19] : memref<10240x128xf32, #tpu.memory_space<vmem_shared>> -> memref<1000x128xf32, #tpu.memory_space<vmem_shared>>
        tpu.enqueue_dma source(%dma_start3A_20 : memref<1000x128xf32, #tpu.memory_space<vmem_shared>>) target(%dma_start3A_18 : memref<1000x128xf32, #tpu.memory_space<hbm>>) target_semaphore(%run_scoped3A : memref<!tpu.dma_semaphore, #tpu.memory_space<semaphore_mem>>)
        %dma_wait3A = arith.constant 0 : i32
        %dma_wait3A_21 = arith.constant 0 : i32
        %dma_wait3A_22 = tpu.memref_slice %arg6[%arg0, %dma_wait3A, %dma_wait3A_21] : memref<2x10240x128xf32, #tpu.memory_space<hbm>> -> memref<1x10240x128xf32, #tpu.memory_space<hbm>>
        %dma_wait3A_23 = tpu.memref_squeeze %dma_wait3A_22 : memref<1x10240x128xf32, #tpu.memory_space<hbm>> -> memref<10240x128xf32, #tpu.memory_space<hbm>>
        %dma_wait3A_24 = arith.constant 0 : i32
        %dma_wait3A_25 = tpu.memref_slice %dma_wait3A_23[%mul3A_13, %dma_wait3A_24] : memref<10240x128xf32, #tpu.memory_space<hbm>> -> memref<1000x128xf32, #tpu.memory_space<hbm>>
        %dma_wait3A_26 = arith.constant 0 : i32
        %dma_wait3A_27 = tpu.memref_slice %arg11[%mul3A_11, %dma_wait3A_26] : memref<10240x128xf32, #tpu.memory_space<vmem_shared>> -> memref<1000x128xf32, #tpu.memory_space<vmem_shared>>
        tpu.wait_dma2 semaphore(%run_scoped3A : memref<!tpu.dma_semaphore, #tpu.memory_space<semaphore_mem>>) src(%dma_wait3A_27 : memref<1000x128xf32, #tpu.memory_space<vmem_shared>>) dst(%dma_wait3A_25 : memref<1000x128xf32, #tpu.memory_space<hbm>>)
        tpu.yield
      }) : () -> ()
    } else {
    }
    return
  }
}

module attributes {stable_mosaic.version = 14 : i64} {
  func.func @body(%arg0: i32, %arg1: memref<2000x128xf32, #tpu.memory_space<vmem>>, %arg2: memref<128x128xf32, #tpu.memory_space<vmem>>, %arg3: memref<2000x128xf32, #tpu.memory_space<vmem>>) attributes {dimension_semantics = [#tpu.dimension_semantics<arbitrary>], iteration_bounds = array<i64: 5>, scalar_prefetch = 0 : i64, scratch_operands = 0 : i64, tpu.core_type = #tpu.core_type<tc>, window_params = [{transform_indices = @transform_0, window_bounds = array<i64: 2000, 128>}, {pipeline_mode = #tpu.pipeline_mode<synchronous>, transform_indices = @transform_1, window_bounds = array<i64: 128, 128>}, {transform_indices = @transform_2, window_bounds = array<i64: 2000, 128>}]} {
    %get3A = arith.constant 0 : index
    %get3A_0 = arith.constant 0 : index
    %get3A_1 = vector.load %arg1[%get3A, %get3A_0] : memref<2000x128xf32, #tpu.memory_space<vmem>>, vector<2000x128xf32>
    %get3A_2 = arith.constant 0 : index
    %get3A_3 = arith.constant 0 : index
    %get3A_4 = vector.load %arg2[%get3A_2, %get3A_3] : memref<128x128xf32, #tpu.memory_space<vmem>>, vector<128x128xf32>
    %dot_general3A = arith.constant dense<0.000000e+00> : vector<2000x128xf32>
    %dot_general3A_5 = tpu.matmul %get3A_1, %get3A_4, %dot_general3A {dimension_numbers = #tpu.dot_dimension_numbers<[1], [1], [0], [0], [0, 0, 1, 0], [], []>, transpose_lhs_hint = false} : vector<2000x128xf32>, vector<128x128xf32>, vector<2000x128xf32> -> vector<2000x128xf32>
    %swap3A = arith.constant 0 : index
    %swap3A_6 = arith.constant 0 : index
    %swap3A_7 = vector.load %arg3[%swap3A, %swap3A_6] : memref<2000x128xf32, #tpu.memory_space<vmem>>, vector<2000x128xf32>
    tpu.vector_store %arg3[%swap3A, %swap3A_6], %dot_general3A_5 {strides = array<i32>} : memref<2000x128xf32, #tpu.memory_space<vmem>>, vector<2000x128xf32>,
    return
  }
  func.func @transform_0(%arg0: i32) -> (i32, i32) {
    %c0_i32 = arith.constant 0 : i32
    %c0_i32_0 = arith.constant 0 : i32
    return %arg0, %c0_i32 : i32, i32
  }
  func.func @transform_1(%arg0: i32) -> (i32, i32) {
    %c0_i32 = arith.constant 0 : i32
    %c0_i32_0 = arith.constant 0 : i32
    %c0_i32_1 = arith.constant 0 : i32
    return %c0_i32, %c0_i32_0 : i32, i32
  }
  func.func @transform_2(%arg0: i32) -> (i32, i32) {
    %c0_i32 = arith.constant 0 : i32
    %c0_i32_0 = arith.constant 0 : i32
    return %arg0, %c0_i32 : i32, i32
  }
}

module attributes {stable_mosaic.version = 14 : i64} {
  func.func @body(%arg0: i32, %arg1: memref<2000x128xf32, #tpu.memory_space<vmem>>, %arg2: memref<2000x1xf32, #tpu.memory_space<vmem>>, %arg3: memref<2000x128xf32, #tpu.memory_space<vmem>>) attributes {dimension_semantics = [#tpu.dimension_semantics<arbitrary>], iteration_bounds = array<i64: 5>, scalar_prefetch = 0 : i64, scratch_operands = 0 : i64, tpu.core_type = #tpu.core_type<tc>, window_params = [{transform_indices = @transform_0, window_bounds = array<i64: 2000, 128>}, {transform_indices = @transform_1, window_bounds = array<i64: 2000, 1>}, {transform_indices = @transform_2, window_bounds = array<i64: 2000, 128>}]} {
    %get3A = arith.constant 0 : index
    %get3A_0 = arith.constant 0 : index
    %get3A_1 = vector.load %arg1[%get3A, %get3A_0] : memref<2000x128xf32, #tpu.memory_space<vmem>>, vector<2000x128xf32>
    %get3A_2 = arith.constant 0 : index
    %get3A_3 = arith.constant 0 : index
    %get3A_4 = vector.load %arg2[%get3A_2, %get3A_3] : memref<2000x1xf32, #tpu.memory_space<vmem>>, vector<2000x1xf32>
    %mul3A = vector.broadcast %get3A_4 : vector<2000x1xf32> to vector<2000x128xf32>
    %mul3A_5 = arith.mulf %get3A_1, %mul3A : vector<2000x128xf32>
    %swap3A = arith.constant 0 : index
    %swap3A_6 = arith.constant 0 : index
    %swap3A_7 = vector.load %arg3[%swap3A, %swap3A_6] : memref<2000x128xf32, #tpu.memory_space<vmem>>, vector<2000x128xf32>
    tpu.vector_store %arg3[%swap3A, %swap3A_6], %mul3A_5 {strides = array<i32>} : memref<2000x128xf32, #tpu.memory_space<vmem>>, vector<2000x128xf32>,
    return
  }
  func.func @transform_0(%arg0: i32) -> (i32, i32) {
    %c0_i32 = arith.constant 0 : i32
    %c0_i32_0 = arith.constant 0 : i32
    return %arg0, %c0_i32 : i32, i32
  }
  func.func @transform_1(%arg0: i32) -> (i32, i32) {
    %c0_i32 = arith.constant 0 : i32
    %c0_i32_0 = arith.constant 0 : i32
    return %arg0, %c0_i32 : i32, i32
  }
  func.func @transform_2(%arg0: i32) -> (i32, i32) {
    %c0_i32 = arith.constant 0 : i32
    %c0_i32_0 = arith.constant 0 : i32
    return %arg0, %c0_i32 : i32, i32
  }
}

module attributes {stable_mosaic.version = 14 : i64} {
  func.func @body(%arg0: i32, %arg1: memref<2x2000x128xf32, #tpu.memory_space<vmem>>, %arg2: memref<2000x128xf32, #tpu.memory_space<vmem>>, %arg3: memref<2000x1xf32, #tpu.memory_space<vmem>>, %arg4: memref<1x128xf32, #tpu.memory_space<vmem>>, %arg5: memref<128x128xf32, #tpu.memory_space<vmem>>, %arg6: memref<2000x128xf32, #tpu.memory_space<vmem>>) attributes {dimension_semantics = [#tpu.dimension_semantics<arbitrary>], iteration_bounds = array<i64: 5>, scalar_prefetch = 0 : i64, scratch_operands = 0 : i64, tpu.core_type = #tpu.core_type<tc>, window_params = [{transform_indices = @transform_0, window_bounds = array<i64: 2, 2000, 128>}, {transform_indices = @transform_1, window_bounds = array<i64: 2000, 128>}, {transform_indices = @transform_2, window_bounds = array<i64: 2000, 1>}, {pipeline_mode = #tpu.pipeline_mode<synchronous>, transform_indices = @transform_3, window_bounds = array<i64: 1, 128>}, {pipeline_mode = #tpu.pipeline_mode<synchronous>, transform_indices = @transform_4, window_bounds = array<i64: 128, 128>}, {transform_indices = @transform_5, window_bounds = array<i64: 2000, 128>}]} {
    %get3A = arith.constant 0 : index
    %get3A_0 = arith.constant 0 : index
    %get3A_1 = vector.load %arg3[%get3A, %get3A_0] : memref<2000x1xf32, #tpu.memory_space<vmem>>, vector<2000x1xf32>
    %get3A_2 = arith.constant 0 : index
    %get3A_3 = arith.constant 0 : index
    %get3A_4 = arith.constant 0 : index
    %get3A_5 = vector.load %arg1[%get3A_2, %get3A_3, %get3A_4] : memref<2x2000x128xf32, #tpu.memory_space<vmem>>, vector<1x2000x128xf32>
    %get3A_6 = vector.shape_cast %get3A_5 : vector<1x2000x128xf32> to vector<2000x128xf32>
    %get3A_7 = arith.constant 1 : index
    %get3A_8 = arith.constant 0 : index
    %get3A_9 = arith.constant 0 : index
    %get3A_10 = vector.load %arg1[%get3A_7, %get3A_8, %get3A_9] : memref<2x2000x128xf32, #tpu.memory_space<vmem>>, vector<1x2000x128xf32>
    %get3A_11 = vector.shape_cast %get3A_10 : vector<1x2000x128xf32> to vector<2000x128xf32>
    %add3A = arith.addf %get3A_6, %get3A_11 : vector<2000x128xf32>
    %get3A_12 = arith.constant 0 : index
    %get3A_13 = arith.constant 0 : index
    %get3A_14 = vector.load %arg2[%get3A_12, %get3A_13] : memref<2000x128xf32, #tpu.memory_space<vmem>>, vector<2000x128xf32>
    %add3A_15 = arith.addf %add3A, %get3A_14 : vector<2000x128xf32>
    %mul3A = vector.broadcast %get3A_1 : vector<2000x1xf32> to vector<2000x128xf32>
    %mul3A_16 = arith.mulf %add3A_15, %mul3A : vector<2000x128xf32>
    %get3A_17 = arith.constant 0 : index
    %get3A_18 = arith.constant 0 : index
    %get3A_19 = vector.load %arg4[%get3A_17, %get3A_18] : memref<1x128xf32, #tpu.memory_space<vmem>>, vector<1x128xf32>
    %add3A_20 = vector.broadcast %get3A_19 : vector<1x128xf32> to vector<2000x128xf32>
    %add3A_21 = arith.addf %mul3A_16, %add3A_20 : vector<2000x128xf32>
    %max3A = arith.constant 0.000000e+00 : f32
    %max3A_22 = vector.broadcast %max3A : f32 to vector<2000x128xf32>
    %max3A_23 = arith.maximumf %add3A_21, %max3A_22 : vector<2000x128xf32>
    %get3A_24 = arith.constant 0 : index
    %get3A_25 = arith.constant 0 : index
    %get3A_26 = vector.load %arg5[%get3A_24, %get3A_25] : memref<128x128xf32, #tpu.memory_space<vmem>>, vector<128x128xf32>
    %dot_general3A = arith.constant dense<0.000000e+00> : vector<2000x128xf32>
    %dot_general3A_27 = tpu.matmul %max3A_23, %get3A_26, %dot_general3A {dimension_numbers = #tpu.dot_dimension_numbers<[1], [1], [0], [0], [0, 0, 1, 0], [], []>, transpose_lhs_hint = false} : vector<2000x128xf32>, vector<128x128xf32>, vector<2000x128xf32> -> vector<2000x128xf32>
    %mul3A_28 = vector.broadcast %get3A_1 : vector<2000x1xf32> to vector<2000x128xf32>
    %mul3A_29 = arith.mulf %dot_general3A_27, %mul3A_28 : vector<2000x128xf32>
    %swap3A = arith.constant 0 : index
    %swap3A_30 = arith.constant 0 : index
    %swap3A_31 = vector.load %arg6[%swap3A, %swap3A_30] : memref<2000x128xf32, #tpu.memory_space<vmem>>, vector<2000x128xf32>
    tpu.vector_store %arg6[%swap3A, %swap3A_30], %mul3A_29 {strides = array<i32>} : memref<2000x128xf32, #tpu.memory_space<vmem>>, vector<2000x128xf32>,
    return
  }
  func.func @transform_0(%arg0: i32) -> (i32, i32, i32) {
    %c0_i32 = arith.constant 0 : i32
    %c0_i32_0 = arith.constant 0 : i32
    %c0_i32_1 = arith.constant 0 : i32
    return %c0_i32, %arg0, %c0_i32_0 : i32, i32, i32
  }
  func.func @transform_1(%arg0: i32) -> (i32, i32) {
    %c0_i32 = arith.constant 0 : i32
    %c0_i32_0 = arith.constant 0 : i32
    return %arg0, %c0_i32 : i32, i32
  }
  func.func @transform_2(%arg0: i32) -> (i32, i32) {
    %c0_i32 = arith.constant 0 : i32
    %c0_i32_0 = arith.constant 0 : i32
    return %arg0, %c0_i32 : i32, i32
  }
  func.func @transform_3(%arg0: i32) -> (i32, i32) {
    %c0_i32 = arith.constant 0 : i32
    %c0_i32_0 = arith.constant 0 : i32
    %c0_i32_1 = arith.constant 0 : i32
    return %c0_i32, %c0_i32_0 : i32, i32
  }
  func.func @transform_4(%arg0: i32) -> (i32, i32) {
    %c0_i32 = arith.constant 0 : i32
    %c0_i32_0 = arith.constant 0 : i32
    %c0_i32_1 = arith.constant 0 : i32
    return %c0_i32, %c0_i32_0 : i32, i32
  }
  func.func @transform_5(%arg0: i32) -> (i32, i32) {
    %c0_i32 = arith.constant 0 : i32
    %c0_i32_0 = arith.constant 0 : i32
    return %arg0, %c0_i32 : i32, i32
  }
}

module attributes {stable_mosaic.version = 14 : i64} {
  func.func @body(%arg0: i32, %arg1: memref<2x2000x128xf32, #tpu.memory_space<vmem>>, %arg2: memref<2000x128xf32, #tpu.memory_space<vmem>>, %arg3: memref<2000x1xf32, #tpu.memory_space<vmem>>, %arg4: memref<1x128xf32, #tpu.memory_space<vmem>>, %arg5: memref<2000x128xf32, #tpu.memory_space<vmem>>) attributes {dimension_semantics = [#tpu.dimension_semantics<arbitrary>], iteration_bounds = array<i64: 5>, scalar_prefetch = 0 : i64, scratch_operands = 0 : i64, tpu.core_type = #tpu.core_type<tc>, window_params = [{transform_indices = @transform_0, window_bounds = array<i64: 2, 2000, 128>}, {transform_indices = @transform_1, window_bounds = array<i64: 2000, 128>}, {transform_indices = @transform_2, window_bounds = array<i64: 2000, 1>}, {pipeline_mode = #tpu.pipeline_mode<synchronous>, transform_indices = @transform_3, window_bounds = array<i64: 1, 128>}, {transform_indices = @transform_4, window_bounds = array<i64: 2000, 128>}]} {
    %get3A = arith.constant 0 : index
    %get3A_0 = arith.constant 0 : index
    %get3A_1 = arith.constant 0 : index
    %get3A_2 = vector.load %arg1[%get3A, %get3A_0, %get3A_1] : memref<2x2000x128xf32, #tpu.memory_space<vmem>>, vector<1x2000x128xf32>
    %get3A_3 = vector.shape_cast %get3A_2 : vector<1x2000x128xf32> to vector<2000x128xf32>
    %get3A_4 = arith.constant 1 : index
    %get3A_5 = arith.constant 0 : index
    %get3A_6 = arith.constant 0 : index
    %get3A_7 = vector.load %arg1[%get3A_4, %get3A_5, %get3A_6] : memref<2x2000x128xf32, #tpu.memory_space<vmem>>, vector<1x2000x128xf32>
    %get3A_8 = vector.shape_cast %get3A_7 : vector<1x2000x128xf32> to vector<2000x128xf32>
    %add3A = arith.addf %get3A_3, %get3A_8 : vector<2000x128xf32>
    %get3A_9 = arith.constant 0 : index
    %get3A_10 = arith.constant 0 : index
    %get3A_11 = vector.load %arg2[%get3A_9, %get3A_10] : memref<2000x128xf32, #tpu.memory_space<vmem>>, vector<2000x128xf32>
    %add3A_12 = arith.addf %add3A, %get3A_11 : vector<2000x128xf32>
    %get3A_13 = arith.constant 0 : index
    %get3A_14 = arith.constant 0 : index
    %get3A_15 = vector.load %arg3[%get3A_13, %get3A_14] : memref<2000x1xf32, #tpu.memory_space<vmem>>, vector<2000x1xf32>
    %mul3A = vector.broadcast %get3A_15 : vector<2000x1xf32> to vector<2000x128xf32>
    %mul3A_16 = arith.mulf %add3A_12, %mul3A : vector<2000x128xf32>
    %get3A_17 = arith.constant 0 : index
    %get3A_18 = arith.constant 0 : index
    %get3A_19 = vector.load %arg4[%get3A_17, %get3A_18] : memref<1x128xf32, #tpu.memory_space<vmem>>, vector<1x128xf32>
    %add3A_20 = vector.broadcast %get3A_19 : vector<1x128xf32> to vector<2000x128xf32>
    %add3A_21 = arith.addf %mul3A_16, %add3A_20 : vector<2000x128xf32>
    %swap3A = arith.constant 0 : index
    %swap3A_22 = arith.constant 0 : index
    %swap3A_23 = vector.load %arg5[%swap3A, %swap3A_22] : memref<2000x128xf32, #tpu.memory_space<vmem>>, vector<2000x128xf32>
    tpu.vector_store %arg5[%swap3A, %swap3A_22], %add3A_21 {strides = array<i32>} : memref<2000x128xf32, #tpu.memory_space<vmem>>, vector<2000x128xf32>,
    return
  }
  func.func @transform_0(%arg0: i32) -> (i32, i32, i32) {
    %c0_i32 = arith.constant 0 : i32
    %c0_i32_0 = arith.constant 0 : i32
    %c0_i32_1 = arith.constant 0 : i32
    return %c0_i32, %arg0, %c0_i32_0 : i32, i32, i32
  }
  func.func @transform_1(%arg0: i32) -> (i32, i32) {
    %c0_i32 = arith.constant 0 : i32
    %c0_i32_0 = arith.constant 0 : i32
    return %arg0, %c0_i32 : i32, i32
  }
  func.func @transform_2(%arg0: i32) -> (i32, i32) {
    %c0_i32 = arith.constant 0 : i32
    %c0_i32_0 = arith.constant 0 : i32
    return %arg0, %c0_i32 : i32, i32
  }
  func.func @transform_3(%arg0: i32) -> (i32, i32) {
    %c0_i32 = arith.constant 0 : i32
    %c0_i32_0 = arith.constant 0 : i32
    %c0_i32_1 = arith.constant 0 : i32
    return %c0_i32, %c0_i32_0 : i32, i32
  }
  func.func @transform_4(%arg0: i32) -> (i32, i32) {
    %c0_i32 = arith.constant 0 : i32
    %c0_i32_0 = arith.constant 0 : i32
    return %arg0, %c0_i32 : i32, i32
  }
}

</mosaic_0001>

<sc_bundles>
// kernel: kernel.12.cloned.1.call-start
scs
__scs_entry_jumppad:
0x0: {  	(pc) =	sbr.rel $0x88, $3  }
0x1: {  	(tag) =	ssettag $0x0;
	lr =	simm.s32 $0x1  }
0x2: {  	[smem:$0x3F9B] =	sst lr;
	_ =	strace $0xD0000000  }
0x3: {  	_ = 	snop  }
0x4: {  	_ = 	snop  }
0x5: {  	_ = 	snop  }
0x6: {  	_ = 	snop  }
0x7: {  	_ = 	snop  }
__scs_overlays_trampoline_lowered:
0x8: {  	[smem:$0x3FAA] =	sst s0  }
0x9: {  	[smem:$0x3FAB] =	sst s1  }
0xa: {  	[smem:$0x3FAC] =	sst s2  }
0xb: {  	[smem:$0x3FAD] =	sst s3  }
0xc: {  	[smem:$0x3FAE] =	sst s4  }
0xd: {  	[smem:$0x3FAF] =	sst s5  }
0xe: {  	[smem:$0x3FB0] =	sst s6  }
0xf: {  	[smem:$0x3FB1] =	sst s7  }
0x10: {  	[smem:$0x3FB2] =	sst s8  }
0x11: {  	[smem:$0x3FB3] =	sst s9;
	s0 =	simm.s32 @!p0 $0x0  }
0x12: {  	s1 =	sld [smem:$0x3F99];
	s0 =	simm.s32 @p0 $0x1  }
0x13: {  	[smem:$0x3FB4] =	sst s0;
	s0 =	simm.s32 @!p1 $0x0  }
0x14: {  	s2 =	sld [smem:$0x3F98];
	s0 =	simm.s32 @p1 $0x1  }
0x15: {  	[smem:$0x3FB5] =	sst s0;
	s0 =	simm.s32 @!p2 $0x0  }
0x16: {  	s3 =	sld [smem:$0x3FDB];
	s0 =	simm.s32 @p2 $0x1  }
0x17: {  	s4 =	simm.s32 $0x1BF5;
	[smem:$0x3FB7] =	sst s0  }
0x18: {  	s0 =	sld [smem:$0x3F9A];
	_ =	swait.ge [sflag:s4], $0x0  }
0x19: {  	s7 =	sld [smem:$0x3F9B]  }
0x1a: {  	s8 =	sadd.s32 $0xFFFFE003, lr  }
0x1b: {  	s9 =	sadd.s32 $0xFFFFFEF7, lr;
	s5 =	simm.s32 $0xFFFFFFFF;
	p2 =	slt.u32 s8, $0xFFFFF086  }
0x1c: {  	p1 =	slt.u32 s9, $0xF7A;
	s5 =	simm.s32 @!p2 $0x0  }
0x1d: {  	s5 =	simm.s32 @p1 $0x1;
	p0 =	seq.s32 s7, s2  }
0x1e: {  	s7 =	smul.u32 @!p0 $0xF7A, s2;
	p2 =	seq.s32 @!p0 s5, $0x0  }
0x1f: {  	s9 =	smul.u32 $0xF7A, s1;
	s8 =	simm.s32 @!p0 $0x1BF5;
	p2 =	por !p2, p0  }
0x20: {  	[sflag:s8] =	ssyncset.s32 @!p0 $0xFFFFF086;
	s6 =	sadd.s32 @!p0 s3, s7;
	s7 =	simm.s32 @!p0 $0x108  }
0x21: {  	s3 =	sadd.s32 s3, s9;
	s6 =	sadd.s32 @!p0 $0x88, s6;
	s7 =	simm.s32 @p2 $0x1082  }
0x22: {  	[simem:s7], [sflag:s8] =	dma.local @!p0 [hbm:s6], $0xF7A  }
0x23: {  	s9 =	sor.u32 $0xD0000000, s2;
	s6 =	simm.s32 $0x108;
	_ =	swait.ge @!p0 [sflag:s8], $0x0  }
0x24: {  	s3 =	sadd.s32 $0x88, s3;
	s6 =	simm.s32 @!p1 $0x1082;
	[sflag:s4] =	ssyncset.s32 $0xFFFFF086  }
0x25: {  	[simem:s6], [sflag:s4] =	dma.local [hbm:s3], $0xF7A  }
0x26: {  	[smem:$0x3F9B] =	sst s1;
	(tag) =	ssettag s2;
	_ =	strace s9  }
0x27: {  	s1 =	sld [smem:$0x3FAB]  }
0x28: {  	s2 =	sld [smem:$0x3FAC]  }
0x29: {  	s4 =	sld [smem:$0x3FAE]  }
0x2a: {  	p0 =	seq.s32 s5, $0x0;
	s5 =	sld [smem:$0x3FAF]  }
0x2b: {  	s6 =	sld [smem:$0x3FB0]  }
0x2c: {  	s7 =	sld [smem:$0x3FB1]  }
0x2d: {  	s3 =	simm.s32 $0x108;
	s8 =	sld [smem:$0x3FB2]  }
0x2e: {  	s3 =	simm.s32 @!p0 $0x1082;
	s9 =	sld [smem:$0x3FB3]  }
0x2f: {  	lr =	sadd.s32 s0, s3;
	s0 =	sld [smem:$0x3FAA]  }
0x30: {  	s3 =	sld [smem:$0x3FAD]  }
0x31: {  	[smem:$0x3FB6] =	sst s10  }
0x32: {  	s10 =	sld [smem:$0x3FB4];
	_ =	sdelay $0x3  }
0x33: {  	p0 =	seq.s32 s10, $0x1;
	s10 =	sld [smem:$0x3FB6];
	_ =	sdelay $0x3  }
0x34: {  	[smem:$0x3FB6] =	sst s10  }
0x35: {  	s10 =	sld [smem:$0x3FB5];
	_ =	sdelay $0x3  }
0x36: {  	p1 =	seq.s32 s10, $0x1;
	s10 =	sld [smem:$0x3FB6];
	_ =	sdelay $0x3  }
0x37: {  	[smem:$0x3FB6] =	sst s10  }
0x38: {  	s10 =	sld [smem:$0x3FB7]  }
0x39: {  	_ = 	snop;
	(pc) =	sbr.ind lr, $3  }
0x3a: {  	_ = 	snop  }
0x3b: {  	_ = 	snop  }
0x3c: {  	p2 =	seq.s32 s10, $0x1;
	s10 =	sld [smem:$0x3FB6]  }
0x3d: {  	_ =	shalt  }
0x3e: {  	_ =	shalt  }
0x3f: {  	_ =	shalt  }
0x40: {  	_ =	shalt  }
0x41: {  	_ =	shalt  }
0x42: {  	_ =	shalt  }
0x43: {  	_ =	shalt  }
0x44: {  	_ =	shalt  }
0x45: {  	_ =	shalt  }
0x46: {  	_ =	shalt  }
0x47: {  	_ =	shalt  }
0x48: {  	_ =	shalt  }
0x49: {  	_ =	shalt  }
0x4a: {  	_ =	shalt  }
0x4b: {  	_ =	shalt  }
0x4c: {  	_ =	shalt  }
0x4d: {  	_ =	shalt  }
0x4e: {  	_ =	shalt  }
0x4f: {  	_ =	shalt  }
0x50: {  	_ =	shalt  }
0x51: {  	_ =	shalt  }
0x52: {  	_ =	shalt  }
0x53: {  	_ =	shalt  }
0x54: {  	_ =	shalt  }
0x55: {  	_ =	shalt  }
0x56: {  	_ =	shalt  }
0x57: {  	_ =	shalt  }
0x58: {  	_ =	shalt  }
0x59: {  	_ =	shalt  }
0x5a: {  	_ =	shalt  }
0x5b: {  	_ =	shalt  }
0x5c: {  	_ =	shalt  }
0x5d: {  	_ =	shalt  }
0x5e: {  	_ =	shalt  }
0x5f: {  	_ =	shalt  }
0x60: {  	_ =	shalt  }
0x61: {  	_ =	shalt  }
0x62: {  	_ =	shalt  }
0x63: {  	_ =	shalt  }
0x64: {  	_ =	shalt  }
0x65: {  	_ =	shalt  }
0x66: {  	_ =	shalt  }
0x67: {  	_ =	shalt  }
0x68: {  	_ =	shalt  }
0x69: {  	_ =	shalt  }
0x6a: {  	_ =	shalt  }
0x6b: {  	_ =	shalt  }
0x6c: {  	_ =	shalt  }
0x6d: {  	_ =	shalt  }
0x6e: {  	_ =	shalt  }
0x6f: {  	_ =	shalt  }
0x70: {  	_ =	shalt  }
0x71: {  	_ =	shalt  }
0x72: {  	_ =	shalt  }
0x73: {  	_ =	shalt  }
0x74: {  	_ =	shalt  }
0x75: {  	_ =	shalt  }
0x76: {  	_ =	shalt  }
0x77: {  	_ =	shalt  }
0x78: {  	_ =	shalt  }
0x79: {  	_ =	shalt  }
0x7a: {  	_ =	shalt  }
0x7b: {  	_ =	shalt  }
0x7c: {  	_ =	shalt  }
0x7d: {  	_ =	shalt  }
0x7e: {  	_ =	shalt  }
0x7f: {  	_ =	shalt  }
0x80: {  	_ =	shalt  }
0x81: {  	_ =	shalt  }
0x82: {  	_ =	shalt  }
0x83: {  	_ =	shalt  }
0x84: {  	_ =	shalt  }
0x85: {  	_ =	shalt  }
0x86: {  	_ =	shalt  }
0x87: {  	_ =	shalt  }
.Lfunc_end0:
.L_simem_size_0:
called_computation.1_lowered:
.L_overlay_start_0:
0x88: {  	s2 =	sld [smem:$0x3FD9]  }
0x89: {  	s3 =	sld [smem:$0x3FFE];
	_ =	sdelay $0x1  }
0x8a: {  	s1 =	srdreg.scid  }
0x8b: {  	s0 =	sand.u32 $0x1, s1  }
0x8c: {  	s17 =	sshll.u32 s0, $0xA;
	s2 =	sadd.s32 s3, s2  }
0x8d: {  	s2 =	sadd.s32 s2, s17  }
0x8e: {  	[smem:$0x3FC2] =	sst s2  }
0x8f: {  	_ = 	snop  }
0x90: {  	s2 =	sld [smem:$0x3FD0];
	(tm) =	ssettm $0x1  }
0x91: {  	s18 =	sld [smem:$0x3FFB];
	_ =	sdelay $0x3  }
0x92: {  	_ =	strace s18  }
0x93: {  	s3 =	sld [smem:$0x3FFC];
	_ =	sdelay $0x3  }
0x94: {  	_ =	strace s3  }
0x95: {  	s3 =	sld [smem:$0x3FFD];
	_ =	sdelay $0x3  }
0x96: {  	_ =	strace s3  }
0x97: {  	_ =	strace $0x8FFFFFFF  }
0x98: {  	s19 =	sld [smem:$0x3FDB];
	_ =	sdelay $0x1  }
0x99: {  	s4 =	simm.s32 $_scs_section_size  }
0x9a: {  	s5 =	simm.s32 $_size__tile_overlayer_lowered;
	s6 =	simm.s32 $_tile_overlayer_lowered  }
0x9b: {  	s22 =	simm.s32 $0x1BFF;
	s21 =	sshll.u32 s6, $0x1;
	s3 =	sadd.s32 s4, s19  }
0x9c: {  	s7 =	simm.s32 $0x0;
	s20 =	sshll.u32 s5, $0x1;
	s5 =	sadd.s32 s21, s3  }
0x9d: {  	[timem:s7], [sflag:s22] =	dma.local [hbm:s5], s20  }
0x9e: {  	_ =	swait.ge [sflag:s22], s20  }
0x9f: {  	s4 =	ssub.s32 $0x0, s20;
	[sflag:s22] =	ssyncset.done $0x0  }
0xa0: {  	[sflag:s22] =	ssyncadd.s32 s4;
	_ =	sdelay $0x1  }
0xa1: {  	s23 =	simm.s32 $0x1B8B  }
0xa2: {  	_ =	swait.ge [sflag:s23], $0x1  }
0xa3: {  	[sflag:s23] =	ssyncset.done $0x0  }
0xa4: {  	s25 =	simm.s32 $0x1B8E;
	s24 =	sld [smem:$0x3FFE];
	[sflag:s23] =	ssyncadd.s32 $0xFFFFFFFF  }
0xa5: {  	s26 =	simm.s32 $execute0_lowered;
	[smem:$0x3FD2] =	sst s25  }
0xa6: {  	s5 =	sshll.u32 s26, $0x1;
	_ =	strace $0x80000049;
	[dreg:$0x1] =	wrdreg $0xFFFFFFFF  }
0xa7: {  	s28 =	simm.s32 $_size_execute0_lowered;
	s3 =	sadd.s32 s3, s5;
	[dreg:$0x0] =	wrdreg $0x0  }
0xa8: {  	s5 =	sshll.u32 s28, $0x1;
	[dreg:$0x2] =	wrdreg s3  }
0xa9: {  	[dreg:$0x3] =	wrdreg s5  }
0xaa: {  	[dreg:$0x4] =	wrdreg $0xC0  }
0xab: {  	_ =	task [dreg:s7], $0x5FFFF  }
0xac: {  	[dreg:$0x1] =	wrdreg $0xFFFFFFFF  }
0xad: {  	[dreg:$0x0] =	wrdreg $0x60  }
0xae: {  	[dreg:$0x2] =	wrdreg s2  }
0xaf: {  	[dreg:$0x3] =	wrdreg s24  }
0xb0: {  	[dreg:$0x4] =	wrdreg $0xA8000  }
0xb1: {  	[dreg:$0x5] =	wrdreg $0x9  }
0xb2: {  	_ =	task.clear_ibuf [dreg:s7], $0x6FFFF;
	_ =	strace $0x90000049  }
0xb3: {  	s29 =	simm.s32 $0x9;
	_ =	strace $0x8000004B  }
0xb4: {  	_ =	swait.ge [sflag:s29], $0x1  }
0xb5: {  	[sflag:s29] =	ssyncadd.s32 $0xFFFFFFFF  }
0xb6: {  	_ =	strace $0x9000004B  }
0xb7: {  	_ =	sfence  }
0xb8: {  	s30 =	sld [smem:$0x0];
	_ =	sdelay $0x2  }
0xb9: {  	s31 =	sshll.u32 s1, $0xD;
	s1 =	sshrl.u32 s1, $0x2  }
0xba: {  	s3 =	sand.u32 $0x4000, s31;
	s1 =	sadd.s32 s1, s30  }
0xbb: {  	s0 =	sor.u32 s3, s0;
	s1 =	sshll.u32 s1, $0x11  }
0xbc: {  	s0 =	sor.u32 s1, s0  }
0xbd: {  	s0 =	sadd.s32 $0x8F2B, s0  }
0xbe: {  	[sflag:s0] =	ssyncadd.remote.s32 $0x1  }
0xbf: {  	_ =	sfence.sel $0xFFFF  }
0xc0: {  	[dreg:$0x0] =	wrdreg $0xFFFFFFFF;
	(pc) =	sbr.abs _section_cstart, $3  }
0xc1: {  	[dreg:$0x1] =	wrdreg $0xFFFFFFFF  }
0xc2: {  	_ =	task.clear_ibuf [dreg:s7], $0x2FFFF;
	_ =	strace $0x9FFFFFFF  }
0xc3: {  	(tm) =	ssettm $0x7FFFFFFF  }
tec
execute0_lowered:
.L_overlay_start_1:
0x0: {  	(tag) =	ssettag $0x1  }
0x1: {  	s1 =	rddreg [dreg:$0x0]  }
0x2: {  	s6 =	rddreg [dreg:$0x1]  }
0x3: {  	s2 =	rddreg [dreg:$0x2]  }
0x4: {  	s3 =	simm.s32 $0x0;
	s4 =	srdreg.scid;
	s15 =	simm.s32 $0x40  }
0x5: {  	s16 =	simm.s32 $0x2800;
	s17 =	simm.s32 $0x4800;
	s18 =	simm.s32 $0x80  }
0x6: {  	s19 =	simm.s32 $0x6800;
	s20 =	simm.s32 $0xC0;
	s21 =	simm.s32 $0x8800  }
0x7: {  	s22 =	simm.s32 $0x1;
	s28 =	simm.s32 $0x2780;
	s29 =	simm.s32 $0x0  }
0x8: {  	[smem:$0x7FF] =	sst s3;
	s10 =	sadd.s32 $0xC600, s6;
	s7 =	sand.u32 $0x1, s4  }
0x9: {  	s4 =	stileid.u32;
	s11 =	sadd.s32 $0x2600, s6;
	s8 =	smul.u32 $0x28000, s7  }
0xa: {  	s5 =	sadd.s32 $0x16600, s6;
	_ =	strace $0x8000004A;
	s13 =	smul.u32 $0x50000, s4  }
0xb: {  	s9 =	ssub.s32 $0x2, s7;
	s24 =	sshll.u32 s4, $0x1;
	s26 =	smul.u32 $0x7D000, s4  }
0xc: {  	s30 =	sshll.u32 s4, $0x6;
	p0 =	sgt.u32 s4, $0x9;
	s12 =	sshrl.u32 s9, $0x1  }
0xd: {  	s7 =	sor.u32 s7, s24;
	s24 =	smul.u32 $0x3E80, s4;
	s8 =	sadd.s32 s8, s6  }
0xe: {  	s9 =	ssub.s32 s9, s12;
	s25 =	sshrl.u32 s13, $0x2;
	s6 =	sor.u32 $0x1C03, s30  }
0xf: {  	s13 =	sshrl.u32 s26, $0x2;
	s14 =	smul.u32 $0x500, s7;
	s26 =	simm.s32 $0x2700  }
0x10: {  	s12 =	sadd.s32 s25, s2;
	s23 =	sadd.s32 $0x18E00, s8;
	s25 =	sadd.s32 s13, s2  }
0x11: {  	s7 =	smax.u32 s9, $0x1;
	s13 =	simm.s32 $0x3;
	s8 =	sadd.s32 s10, s14  }
0x12: {  	s31 =	sadd.s32 $0x280, s14;
	s9 =	sadd.s32 s11, s14;
	s12 =	sshrl.u32 s12, $0x3  }
0x13: {  	s14 =	simm.s32 $0x1400;
	s23 =	sadd.s32 @!p0 s24, s23;
	s24 =	simm.s32 $0x2  }
0x14: {  	s25 =	sshrl.u32 @!p0 s25, $0x3;
	s10 =	sadd.s32 s10, s31;
	s11 =	sadd.s32 s11, s31  }
.LBB2_1:
0x15: {  	[spmem:s12], [sflag:s6] =	dma.local [hbm:s5], $0x2800  }
0x16: {  	_ =	swait.ge [sflag:s13], $0x2800  }
0x17: {  	[sflag:s13] =	ssyncset.done $0x0  }
0x18: {  	[sflag:s13] =	ssyncadd.s32 $0xFFFFD800  }
0x19: {  	[bflag:$0x0] =	sbarrier.arrive $0xFFFF  }
0x1a: {  	[tilespmem:s3], [sflag:$0x3] =	stream.linear.gather [hbm4b:s8+s3], $0x1400, $0x38;
	[tilespmem:$0x1E800] =	vst v63  }
0x1b: {  	_ =	swait.ge [sflag:s13], $0x1400  }
0x1c: {  	[sflag:s13] =	ssyncset.done $0x0  }
0x1d: {  	[sflag:s13] =	ssyncadd.s32 $0xFFFFEC00  }
0x1e: {  	[tilespmem:s14], [sflag:$0x3] =	stream.linear.gather [hbm4b:s9+s3], $0x1400, $0x38;
	[tilespmem:$0x1E800] =	vst v63  }
0x1f: {  	_ =	swait.ge [sflag:s13], $0x1400  }
0x20: {  	[sflag:s13] =	ssyncset.done $0x0  }
0x21: {  	[sflag:s13] =	ssyncadd.s32 $0xFFFFEC00  }
0x22: {  	[tilespmem:s16], [sflag:$0x1] =	stream.indirect.gather [hbm4b:s1+s15], $0x80, s3, s15, $0xb8;
	[tilespmem:$0x1E800] =	vst v63  }
0x23: {  	_ = 	snop  }
0x24: {  	[tilespmem:s17], [sflag:$0x1] =	stream.indirect.gather [hbm4b:s1+s15], $0x80, s15, s15, $0xb8;
	[tilespmem:$0x1E800] =	vst v63  }
0x25: {  	_ = 	snop  }
0x26: {  	[tilespmem:s19], [sflag:$0x2] =	stream.indirect.gather [hbm4b:s1+s15], $0x80, s18, s15, $0xb8;
	[tilespmem:$0x1E800] =	vst v63  }
0x27: {  	_ = 	snop  }
0x28: {  	[tilespmem:s21], [sflag:$0x2] =	stream.indirect.gather [hbm4b:s1+s15], $0x80, s20, s15, $0xb8;
	[tilespmem:$0x1E800] =	vst v63  }
0x29: {  	_ =	swait.ge [sflag:s22], $0x2000  }
0x2a: {  	[sflag:s22] =	ssyncset.done $0x0  }
0x2b: {  	[sflag:s22] =	ssyncadd.s32 $0xFFFFE000  }
0x2c: {  	_ =	swait.ge [sflag:s22], $0x2000  }
0x2d: {  	[sflag:s22] =	ssyncset.done $0x0  }
0x2e: {  	s30 =	simm.s32 $0x1400;
	[sflag:s22] =	ssyncadd.s32 $0xFFFFE000  }
0x2f: {  	[spmem:s2] =	stream.indirect.scatter.add.f32 [tilespmem:s16], [sflag:$0x3], $0x80, s30, s18, $0xb8;
	[tilespmem:$0x1E800] =	vst v63  }
0x30: {  	_ =	swait.ge [sflag:s13], $0x4000  }
0x31: {  	[sflag:s13] =	ssyncset.done $0x0  }
0x32: {  	s30 =	simm.s32 $0x100;
	[sflag:s13] =	ssyncadd.s32 $0xFFFFC000  }
0x33: {  	[tilespmem:s16], [sflag:$0x1] =	stream.indirect.gather [hbm4b:s1+s15], $0x80, s30, s15, $0xb8;
	[tilespmem:$0x1E800] =	vst v63  }
0x34: {  	s30 =	simm.s32 $0x140  }
0x35: {  	[tilespmem:s17], [sflag:$0x1] =	stream.indirect.gather [hbm4b:s1+s15], $0x80, s30, s15, $0xb8;
	[tilespmem:$0x1E800] =	vst v63  }
0x36: {  	_ =	swait.ge [sflag:s24], $0x2000  }
0x37: {  	[sflag:s24] =	ssyncset.done $0x0  }
0x38: {  	[sflag:s24] =	ssyncadd.s32 $0xFFFFE000  }
0x39: {  	_ =	swait.ge [sflag:s24], $0x2000  }
0x3a: {  	[sflag:s24] =	ssyncset.done $0x0  }
0x3b: {  	s30 =	simm.s32 $0x1480;
	[sflag:s24] =	ssyncadd.s32 $0xFFFFE000  }
0x3c: {  	[spmem:s2] =	stream.indirect.scatter.add.f32 [tilespmem:s19], [sflag:$0x3], $0x80, s30, s18, $0xb8;
	[tilespmem:$0x1E800] =	vst v63  }
0x3d: {  	_ =	swait.ge [sflag:s13], $0x4000  }
0x3e: {  	[sflag:s13] =	ssyncset.done $0x0  }
0x3f: {  	s30 =	simm.s32 $0x180;
	[sflag:s13] =	ssyncadd.s32 $0xFFFFC000  }
0x40: {  	[tilespmem:s19], [sflag:$0x2] =	stream.indirect.gather [hbm4b:s1+s15], $0x80, s30, s15, $0xb8;
	[tilespmem:$0x1E800] =	vst v63  }
0x41: {  	s31 =	simm.s32 $0x1C0;
	s30 =	simm.s32 $0x400  }
.LBB2_2:
0x42: {  	[tilespmem:s21], [sflag:$0x2] =	stream.indirect.gather [hbm4b:s1+s15], $0x80, s31, s15, $0xb8;
	[tilespmem:$0x1E800] =	vst v63  }
0x43: {  	s31 =	smov.u32 s30  }
0x44: {  	p1 =	sne.s32 s30, $0x4800;
	s30 =	sadd.s32 $0x400, s30;
	_ =	swait.ge [sflag:s22], $0x2000  }
0x45: {  	[sflag:s22] =	ssyncset.done $0x0  }
0x46: {  	[sflag:s22] =	ssyncadd.s32 $0xFFFFE000  }
0x47: {  	_ =	swait.ge [sflag:s22], $0x2000  }
0x48: {  	s31 =	sshra.s32 s31, $0x2;
	[sflag:s22] =	ssyncset.done $0x0  }
0x49: {  	s0 =	sadd.s32 $0x1400, s31;
	[sflag:s22] =	ssyncadd.s32 $0xFFFFE000  }
0x4a: {  	[spmem:s2] =	stream.indirect.scatter.add.f32 [tilespmem:s16], [sflag:$0x3], $0x80, s0, s18, $0xb8;
	[tilespmem:$0x1E800] =	vst v63  }
0x4b: {  	_ =	swait.ge [sflag:s13], $0x4000  }
0x4c: {  	[sflag:s13] =	ssyncset.done $0x0  }
0x4d: {  	s0 =	sadd.s32 $0x100, s31;
	[sflag:s13] =	ssyncadd.s32 $0xFFFFC000  }
0x4e: {  	[tilespmem:s16], [sflag:$0x1] =	stream.indirect.gather [hbm4b:s1+s15], $0x80, s0, s15, $0xb8;
	[tilespmem:$0x1E800] =	vst v63  }
0x4f: {  	s0 =	sadd.s32 $0x140, s31  }
0x50: {  	[tilespmem:s17], [sflag:$0x1] =	stream.indirect.gather [hbm4b:s1+s15], $0x80, s0, s15, $0xb8;
	[tilespmem:$0x1E800] =	vst v63  }
0x51: {  	_ =	swait.ge [sflag:s24], $0x2000  }
0x52: {  	[sflag:s24] =	ssyncset.done $0x0  }
0x53: {  	[sflag:s24] =	ssyncadd.s32 $0xFFFFE000  }
0x54: {  	_ =	swait.ge [sflag:s24], $0x2000  }
0x55: {  	[sflag:s24] =	ssyncset.done $0x0  }
0x56: {  	s0 =	sadd.s32 $0x1480, s31;
	[sflag:s24] =	ssyncadd.s32 $0xFFFFE000  }
0x57: {  	[spmem:s2] =	stream.indirect.scatter.add.f32 [tilespmem:s19], [sflag:$0x3], $0x80, s0, s18, $0xb8;
	[tilespmem:$0x1E800] =	vst v63  }
.Ltmp0:
0x58: {  	_ =	swait.ge [sflag:s13], $0x4000;
	(pc) =	sbr.rel @p1 .LBB2_2-.Ltmp0, $4  }
0x59: {  	[sflag:s13] =	ssyncset.done $0x0  }
0x5a: {  	s0 =	sadd.s32 $0x180, s31;
	[sflag:s13] =	ssyncadd.s32 $0xFFFFC000  }
0x5b: {  	[tilespmem:s19], [sflag:$0x2] =	stream.indirect.gather [hbm4b:s1+s15], $0x80, s0, s15, $0xb8;
	[tilespmem:$0x1E800] =	vst v63  }
0x5c: {  	s31 =	sadd.s32 $0x1C0, s31  }
0x5d: {  	[tilespmem:s21], [sflag:$0x2] =	stream.indirect.gather [hbm4b:s1+s15], $0x80, s31, s15, $0xb8;
	[tilespmem:$0x1E800] =	vst v63  }
0x5e: {  	_ =	swait.ge [sflag:s22], $0x2000  }
0x5f: {  	[sflag:s22] =	ssyncset.done $0x0  }
0x60: {  	[sflag:s22] =	ssyncadd.s32 $0xFFFFE000  }
0x61: {  	_ =	swait.ge [sflag:s22], $0x2000  }
0x62: {  	[sflag:s22] =	ssyncset.done $0x0  }
0x63: {  	[sflag:s22] =	ssyncadd.s32 $0xFFFFE000  }
0x64: {  	[spmem:s2] =	stream.indirect.scatter.add.f32 [tilespmem:s16], [sflag:$0x3], $0x80, s26, s18, $0xb8;
	[tilespmem:$0x1E800] =	vst v63  }
0x65: {  	_ =	swait.ge [sflag:s13], $0x4000  }
0x66: {  	[sflag:s13] =	ssyncset.done $0x0  }
0x67: {  	[sflag:s13] =	ssyncadd.s32 $0xFFFFC000  }
0x68: {  	_ =	swait.ge [sflag:s24], $0x2000  }
0x69: {  	[sflag:s24] =	ssyncset.done $0x0  }
0x6a: {  	[sflag:s24] =	ssyncadd.s32 $0xFFFFE000  }
0x6b: {  	_ =	swait.ge [sflag:s24], $0x2000  }
0x6c: {  	[sflag:s24] =	ssyncset.done $0x0  }
0x6d: {  	[sflag:s24] =	ssyncadd.s32 $0xFFFFE000  }
0x6e: {  	[spmem:s2] =	stream.indirect.scatter.add.f32 [tilespmem:s19], [sflag:$0x3], $0x80, s28, s18, $0xb8;
	[tilespmem:$0x1E800] =	vst v63  }
0x6f: {  	_ =	swait.ge [sflag:s13], $0x4000  }
0x70: {  	[sflag:s13] =	ssyncset.done $0x0  }
0x71: {  	s0 =	simm.s32 $0x0;
	[sflag:s13] =	ssyncadd.s32 $0xFFFFC000  }
0x72: {  	[tilespmem:s0], [sflag:$0x3] =	stream.linear.gather [hbm4b:s10+s0], $0x1400, $0x38;
	[tilespmem:$0x1E800] =	vst v63  }
0x73: {  	_ =	swait.ge [sflag:s13], $0x1400  }
0x74: {  	[sflag:s13] =	ssyncset.done $0x0  }
0x75: {  	[sflag:s13] =	ssyncadd.s32 $0xFFFFEC00  }
0x76: {  	[tilespmem:s14], [sflag:$0x3] =	stream.linear.gather [hbm4b:s11+s0], $0x1400, $0x38;
	[tilespmem:$0x1E800] =	vst v63  }
0x77: {  	_ =	swait.ge [sflag:s13], $0x1400  }
0x78: {  	[sflag:s13] =	ssyncset.done $0x0  }
0x79: {  	[sflag:s13] =	ssyncadd.s32 $0xFFFFEC00  }
0x7a: {  	[tilespmem:s16], [sflag:$0x1] =	stream.indirect.gather [hbm4b:s1+s15], $0x80, s0, s15, $0xb8;
	[tilespmem:$0x1E800] =	vst v63  }
0x7b: {  	_ = 	snop  }
0x7c: {  	[tilespmem:s17], [sflag:$0x1] =	stream.indirect.gather [hbm4b:s1+s15], $0x80, s15, s15, $0xb8;
	[tilespmem:$0x1E800] =	vst v63  }
0x7d: {  	_ = 	snop  }
0x7e: {  	[tilespmem:s19], [sflag:$0x2] =	stream.indirect.gather [hbm4b:s1+s15], $0x80, s18, s15, $0xb8;
	[tilespmem:$0x1E800] =	vst v63  }
0x7f: {  	_ = 	snop  }
0x80: {  	[tilespmem:s21], [sflag:$0x2] =	stream.indirect.gather [hbm4b:s1+s15], $0x80, s20, s15, $0xb8;
	[tilespmem:$0x1E800] =	vst v63  }
0x81: {  	_ =	swait.ge [sflag:s22], $0x2000  }
0x82: {  	[sflag:s22] =	ssyncset.done $0x0  }
0x83: {  	[sflag:s22] =	ssyncadd.s32 $0xFFFFE000  }
0x84: {  	_ =	swait.ge [sflag:s22], $0x2000  }
0x85: {  	[sflag:s22] =	ssyncset.done $0x0  }
0x86: {  	s0 =	simm.s32 $0x1400;
	[sflag:s22] =	ssyncadd.s32 $0xFFFFE000  }
0x87: {  	[spmem:s2] =	stream.indirect.scatter.add.f32 [tilespmem:s16], [sflag:$0x3], $0x80, s0, s18, $0xb8;
	[tilespmem:$0x1E800] =	vst v63  }
0x88: {  	_ =	swait.ge [sflag:s13], $0x4000  }
0x89: {  	[sflag:s13] =	ssyncset.done $0x0  }
0x8a: {  	s0 =	simm.s32 $0x100;
	[sflag:s13] =	ssyncadd.s32 $0xFFFFC000  }
0x8b: {  	[tilespmem:s16], [sflag:$0x1] =	stream.indirect.gather [hbm4b:s1+s15], $0x80, s0, s15, $0xb8;
	[tilespmem:$0x1E800] =	vst v63  }
0x8c: {  	s0 =	simm.s32 $0x140  }
0x8d: {  	[tilespmem:s17], [sflag:$0x1] =	stream.indirect.gather [hbm4b:s1+s15], $0x80, s0, s15, $0xb8;
	[tilespmem:$0x1E800] =	vst v63  }
0x8e: {  	_ =	swait.ge [sflag:s24], $0x2000  }
0x8f: {  	[sflag:s24] =	ssyncset.done $0x0  }
0x90: {  	[sflag:s24] =	ssyncadd.s32 $0xFFFFE000  }
0x91: {  	_ =	swait.ge [sflag:s24], $0x2000  }
0x92: {  	[sflag:s24] =	ssyncset.done $0x0  }
0x93: {  	s0 =	simm.s32 $0x1480;
	[sflag:s24] =	ssyncadd.s32 $0xFFFFE000  }
0x94: {  	[spmem:s2] =	stream.indirect.scatter.add.f32 [tilespmem:s19], [sflag:$0x3], $0x80, s0, s18, $0xb8;
	[tilespmem:$0x1E800] =	vst v63  }
0x95: {  	_ =	swait.ge [sflag:s13], $0x4000  }
0x96: {  	s30 =	simm.s32 $0x400;
	[sflag:s13] =	ssyncset.done $0x0  }
0x97: {  	s31 =	simm.s32 $0x1C0;
	s0 =	simm.s32 $0x180;
	[sflag:s13] =	ssyncadd.s32 $0xFFFFC000  }
0x98: {  	[tilespmem:s19], [sflag:$0x2] =	stream.indirect.gather [hbm4b:s1+s15], $0x80, s0, s15, $0xb8;
	[tilespmem:$0x1E800] =	vst v63  }
.LBB2_4:
0x99: {  	[tilespmem:s21], [sflag:$0x2] =	stream.indirect.gather [hbm4b:s1+s15], $0x80, s31, s15, $0xb8;
	[tilespmem:$0x1E800] =	vst v63  }
0x9a: {  	s0 =	smov.u32 s30  }
0x9b: {  	p1 =	sne.s32 s30, $0x4800;
	s30 =	sadd.s32 $0x400, s30;
	_ =	swait.ge [sflag:s22], $0x2000  }
0x9c: {  	[sflag:s22] =	ssyncset.done $0x0  }
0x9d: {  	[sflag:s22] =	ssyncadd.s32 $0xFFFFE000  }
0x9e: {  	_ =	swait.ge [sflag:s22], $0x2000  }
0x9f: {  	s0 =	sshra.s32 s0, $0x2;
	[sflag:s22] =	ssyncset.done $0x0  }
0xa0: {  	s31 =	sadd.s32 $0x1400, s0;
	[sflag:s22] =	ssyncadd.s32 $0xFFFFE000  }
0xa1: {  	[spmem:s2] =	stream.indirect.scatter.add.f32 [tilespmem:s16], [sflag:$0x3], $0x80, s31, s18, $0xb8;
	[tilespmem:$0x1E800] =	vst v63  }
0xa2: {  	_ =	swait.ge [sflag:s13], $0x4000  }
0xa3: {  	[sflag:s13] =	ssyncset.done $0x0  }
0xa4: {  	s31 =	sadd.s32 $0x100, s0;
	[sflag:s13] =	ssyncadd.s32 $0xFFFFC000  }
0xa5: {  	[tilespmem:s16], [sflag:$0x1] =	stream.indirect.gather [hbm4b:s1+s15], $0x80, s31, s15, $0xb8;
	[tilespmem:$0x1E800] =	vst v63  }
0xa6: {  	s31 =	sadd.s32 $0x140, s0  }
0xa7: {  	[tilespmem:s17], [sflag:$0x1] =	stream.indirect.gather [hbm4b:s1+s15], $0x80, s31, s15, $0xb8;
	[tilespmem:$0x1E800] =	vst v63  }
0xa8: {  	_ =	swait.ge [sflag:s24], $0x2000  }
0xa9: {  	[sflag:s24] =	ssyncset.done $0x0  }
0xaa: {  	[sflag:s24] =	ssyncadd.s32 $0xFFFFE000  }
0xab: {  	_ =	swait.ge [sflag:s24], $0x2000  }
0xac: {  	[sflag:s24] =	ssyncset.done $0x0  }
0xad: {  	s31 =	sadd.s32 $0x1480, s0;
	[sflag:s24] =	ssyncadd.s32 $0xFFFFE000  }
0xae: {  	[spmem:s2] =	stream.indirect.scatter.add.f32 [tilespmem:s19], [sflag:$0x3], $0x80, s31, s18, $0xb8;
	[tilespmem:$0x1E800] =	vst v63  }
.Ltmp1:
0xaf: {  	_ =	swait.ge [sflag:s13], $0x4000;
	(pc) =	sbr.rel @p1 .LBB2_4-.Ltmp1, $4  }
0xb0: {  	[sflag:s13] =	ssyncset.done $0x0  }
0xb1: {  	s31 =	sadd.s32 $0x180, s0;
	[sflag:s13] =	ssyncadd.s32 $0xFFFFC000  }
0xb2: {  	[tilespmem:s19], [sflag:$0x2] =	stream.indirect.gather [hbm4b:s1+s15], $0x80, s31, s15, $0xb8;
	[tilespmem:$0x1E800] =	vst v63  }
0xb3: {  	s31 =	sadd.s32 $0x1C0, s0  }
0xb4: {  	[tilespmem:s21], [sflag:$0x2] =	stream.indirect.gather [hbm4b:s1+s15], $0x80, s31, s15, $0xb8;
	[tilespmem:$0x1E800] =	vst v63  }
0xb5: {  	_ =	swait.ge [sflag:s22], $0x2000  }
0xb6: {  	[sflag:s22] =	ssyncset.done $0x0  }
0xb7: {  	[sflag:s22] =	ssyncadd.s32 $0xFFFFE000  }
0xb8: {  	_ =	swait.ge [sflag:s22], $0x2000  }
0xb9: {  	[sflag:s22] =	ssyncset.done $0x0  }
0xba: {  	[sflag:s22] =	ssyncadd.s32 $0xFFFFE000  }
0xbb: {  	[spmem:s2] =	stream.indirect.scatter.add.f32 [tilespmem:s16], [sflag:$0x3], $0x80, s26, s18, $0xb8;
	[tilespmem:$0x1E800] =	vst v63  }
0xbc: {  	_ =	swait.ge [sflag:s13], $0x4000  }
0xbd: {  	[sflag:s13] =	ssyncset.done $0x0  }
0xbe: {  	[sflag:s13] =	ssyncadd.s32 $0xFFFFC000  }
0xbf: {  	_ =	swait.ge [sflag:s24], $0x2000  }
0xc0: {  	[sflag:s24] =	ssyncset.done $0x0  }
0xc1: {  	[sflag:s24] =	ssyncadd.s32 $0xFFFFE000  }
0xc2: {  	_ =	swait.ge [sflag:s24], $0x2000  }
0xc3: {  	[sflag:s24] =	ssyncset.done $0x0  }
0xc4: {  	[sflag:s24] =	ssyncadd.s32 $0xFFFFE000  }
0xc5: {  	[spmem:s2] =	stream.indirect.scatter.add.f32 [tilespmem:s19], [sflag:$0x3], $0x80, s28, s18, $0xb8;
	[tilespmem:$0x1E800] =	vst v63  }
0xc6: {  	_ =	swait.ge [sflag:s13], $0x4000  }
0xc7: {  	s29 =	sadd.s32 $0x1, s29;
	[sflag:s13] =	ssyncset.done $0x0  }
0xc8: {  	p1 =	sne.s32 s29, s7;
	[sflag:s13] =	ssyncadd.s32 $0xFFFFC000  }
.Ltmp2:
0xc9: {  	s0 =	simm.s32 @!p0 $0x3;
	[bflag:$0x0] =	sbarrier.arrive $0xFFFF;
	(pc) =	sbr.rel @p1 .LBB2_1-.Ltmp2, $4  }
0xca: {  	[hbm:s23], [sflag:s6] =	dma.local @!p0 [spmem:s25], $0x3E80  }
0xcb: {  	_ =	swait.ge @!p0 [sflag:s0], $0x3E80  }
0xcc: {  	[sflag:s0] =	ssyncset.done @!p0 $0x0  }
0xcd: {  	[sflag:s0] =	ssyncadd.s32 @!p0 $0xFFFFC180  }
0xce: {  	_ =	sfence.sel $0x180000  }
0xcf: {  	[bflag:$0x0] =	sbarrier.arrive $0xFFFF  }
0xd0: {  	_ =	strace $0x9000004A  }
0xd1: {  	[bflag:$0x2] =	sbarrier.arrive $0xFFFF  }
0xd2: {  	p0 =	sne.s32 s4, $0x0;
	s0 =	rddreg [dreg:$0x3]  }
0xd3: {  	s0 =	sadd.s32 @!p0 $0x100000, s0  }
0xd4: {  	[sflag:s0] =	ssyncadd.tile.s32 @!p0 $0x1;
	_ =	shalt  }
.Lfunc_end2:
_tile_overlayer_lowered:
.L_overlay_start_2:
0xd5: {  	(tag) =	ssettag $0x2  }
0xd6: {  	s0 =	rddreg [dreg:$0x0];
	s2 =	stileid.u32  }
0xd7: {  	s1 =	rddreg [dreg:$0x1];
	p0 =	sne.s32 s2, $0x0  }
0xd8: {  	s3 =	rddreg [dreg:$0x2];
	[bflag:$0x3] =	sbarrier.arrive $0xFFFF;
	s2 =	simm.s32 @!p0 $0x1C03  }
0xd9: {  	[timem:s3], [sflag:s2] =	dma.local @!p0 [hbm:s0], s1  }
0xda: {  	s0 =	simm.s32 @!p0 $0x3  }
0xdb: {  	_ =	swait.ge @!p0 [sflag:s0], s1  }
0xdc: {  	s1 =	ssub.s32 @!p0 $0x0, s1;
	[sflag:s0] =	ssyncset.done @!p0 $0x0  }
0xdd: {  	[sflag:s0] =	ssyncadd.s32 @!p0 s1  }
0xde: {  	[bflag:$0x3] =	sbarrier.arrive $0xFFFF  }
0xdf: {  	_ =	shalt  }

// kernel: kernel.15.cloned.1.call-start
scs
__scs_entry_jumppad:
0x0: {  	(pc) =	sbr.rel $0x88, $3  }
0x1: {  	(tag) =	ssettag $0x0;
	lr =	simm.s32 $0x1  }
0x2: {  	[smem:$0x3F9B] =	sst lr;
	_ =	strace $0xD0000000  }
0x3: {  	_ = 	snop  }
0x4: {  	_ = 	snop  }
0x5: {  	_ = 	snop  }
0x6: {  	_ = 	snop  }
0x7: {  	_ = 	snop  }
__scs_overlays_trampoline_lowered:
0x8: {  	[smem:$0x3FAA] =	sst s0  }
0x9: {  	[smem:$0x3FAB] =	sst s1  }
0xa: {  	[smem:$0x3FAC] =	sst s2  }
0xb: {  	[smem:$0x3FAD] =	sst s3  }
0xc: {  	[smem:$0x3FAE] =	sst s4  }
0xd: {  	[smem:$0x3FAF] =	sst s5  }
0xe: {  	[smem:$0x3FB0] =	sst s6  }
0xf: {  	[smem:$0x3FB1] =	sst s7  }
0x10: {  	[smem:$0x3FB2] =	sst s8  }
0x11: {  	[smem:$0x3FB3] =	sst s9;
	s0 =	simm.s32 @!p0 $0x0  }
0x12: {  	s1 =	sld [smem:$0x3F99];
	s0 =	simm.s32 @p0 $0x1  }
0x13: {  	[smem:$0x3FB4] =	sst s0;
	s0 =	simm.s32 @!p1 $0x0  }
0x14: {  	s2 =	sld [smem:$0x3F98];
	s0 =	simm.s32 @p1 $0x1  }
0x15: {  	[smem:$0x3FB5] =	sst s0;
	s0 =	simm.s32 @!p2 $0x0  }
0x16: {  	s3 =	sld [smem:$0x3FDB];
	s0 =	simm.s32 @p2 $0x1  }
0x17: {  	s4 =	simm.s32 $0x1BF5;
	[smem:$0x3FB7] =	sst s0  }
0x18: {  	s0 =	sld [smem:$0x3F9A];
	_ =	swait.ge [sflag:s4], $0x0  }
0x19: {  	s7 =	sld [smem:$0x3F9B]  }
0x1a: {  	s8 =	sadd.s32 $0xFFFFE003, lr  }
0x1b: {  	s9 =	sadd.s32 $0xFFFFFEF7, lr;
	s5 =	simm.s32 $0xFFFFFFFF;
	p2 =	slt.u32 s8, $0xFFFFF086  }
0x1c: {  	p1 =	slt.u32 s9, $0xF7A;
	s5 =	simm.s32 @!p2 $0x0  }
0x1d: {  	s5 =	simm.s32 @p1 $0x1;
	p0 =	seq.s32 s7, s2  }
0x1e: {  	s7 =	smul.u32 @!p0 $0xF7A, s2;
	p2 =	seq.s32 @!p0 s5, $0x0  }
0x1f: {  	s9 =	smul.u32 $0xF7A, s1;
	s8 =	simm.s32 @!p0 $0x1BF5;
	p2 =	por !p2, p0  }
0x20: {  	[sflag:s8] =	ssyncset.s32 @!p0 $0xFFFFF086;
	s6 =	sadd.s32 @!p0 s3, s7;
	s7 =	simm.s32 @!p0 $0x108  }
0x21: {  	s3 =	sadd.s32 s3, s9;
	s6 =	sadd.s32 @!p0 $0x88, s6;
	s7 =	simm.s32 @p2 $0x1082  }
0x22: {  	[simem:s7], [sflag:s8] =	dma.local @!p0 [hbm:s6], $0xF7A  }
0x23: {  	s9 =	sor.u32 $0xD0000000, s2;
	s6 =	simm.s32 $0x108;
	_ =	swait.ge @!p0 [sflag:s8], $0x0  }
0x24: {  	s3 =	sadd.s32 $0x88, s3;
	s6 =	simm.s32 @!p1 $0x1082;
	[sflag:s4] =	ssyncset.s32 $0xFFFFF086  }
0x25: {  	[simem:s6], [sflag:s4] =	dma.local [hbm:s3], $0xF7A  }
0x26: {  	[smem:$0x3F9B] =	sst s1;
	(tag) =	ssettag s2;
	_ =	strace s9  }
0x27: {  	s1 =	sld [smem:$0x3FAB]  }
0x28: {  	s2 =	sld [smem:$0x3FAC]  }
0x29: {  	s4 =	sld [smem:$0x3FAE]  }
0x2a: {  	p0 =	seq.s32 s5, $0x0;
	s5 =	sld [smem:$0x3FAF]  }
0x2b: {  	s6 =	sld [smem:$0x3FB0]  }
0x2c: {  	s7 =	sld [smem:$0x3FB1]  }
0x2d: {  	s3 =	simm.s32 $0x108;
	s8 =	sld [smem:$0x3FB2]  }
0x2e: {  	s3 =	simm.s32 @!p0 $0x1082;
	s9 =	sld [smem:$0x3FB3]  }
0x2f: {  	lr =	sadd.s32 s0, s3;
	s0 =	sld [smem:$0x3FAA]  }
0x30: {  	s3 =	sld [smem:$0x3FAD]  }
0x31: {  	[smem:$0x3FB6] =	sst s10  }
0x32: {  	s10 =	sld [smem:$0x3FB4];
	_ =	sdelay $0x3  }
0x33: {  	p0 =	seq.s32 s10, $0x1;
	s10 =	sld [smem:$0x3FB6];
	_ =	sdelay $0x3  }
0x34: {  	[smem:$0x3FB6] =	sst s10  }
0x35: {  	s10 =	sld [smem:$0x3FB5];
	_ =	sdelay $0x3  }
0x36: {  	p1 =	seq.s32 s10, $0x1;
	s10 =	sld [smem:$0x3FB6];
	_ =	sdelay $0x3  }
0x37: {  	[smem:$0x3FB6] =	sst s10  }
0x38: {  	s10 =	sld [smem:$0x3FB7]  }
0x39: {  	_ = 	snop;
	(pc) =	sbr.ind lr, $3  }
0x3a: {  	_ = 	snop  }
0x3b: {  	_ = 	snop  }
0x3c: {  	p2 =	seq.s32 s10, $0x1;
	s10 =	sld [smem:$0x3FB6]  }
0x3d: {  	_ =	shalt  }
0x3e: {  	_ =	shalt  }
0x3f: {  	_ =	shalt  }
0x40: {  	_ =	shalt  }
0x41: {  	_ =	shalt  }
0x42: {  	_ =	shalt  }
0x43: {  	_ =	shalt  }
0x44: {  	_ =	shalt  }
0x45: {  	_ =	shalt  }
0x46: {  	_ =	shalt  }
0x47: {  	_ =	shalt  }
0x48: {  	_ =	shalt  }
0x49: {  	_ =	shalt  }
0x4a: {  	_ =	shalt  }
0x4b: {  	_ =	shalt  }
0x4c: {  	_ =	shalt  }
0x4d: {  	_ =	shalt  }
0x4e: {  	_ =	shalt  }
0x4f: {  	_ =	shalt  }
0x50: {  	_ =	shalt  }
0x51: {  	_ =	shalt  }
0x52: {  	_ =	shalt  }
0x53: {  	_ =	shalt  }
0x54: {  	_ =	shalt  }
0x55: {  	_ =	shalt  }
0x56: {  	_ =	shalt  }
0x57: {  	_ =	shalt  }
0x58: {  	_ =	shalt  }
0x59: {  	_ =	shalt  }
0x5a: {  	_ =	shalt  }
0x5b: {  	_ =	shalt  }
0x5c: {  	_ =	shalt  }
0x5d: {  	_ =	shalt  }
0x5e: {  	_ =	shalt  }
0x5f: {  	_ =	shalt  }
0x60: {  	_ =	shalt  }
0x61: {  	_ =	shalt  }
0x62: {  	_ =	shalt  }
0x63: {  	_ =	shalt  }
0x64: {  	_ =	shalt  }
0x65: {  	_ =	shalt  }
0x66: {  	_ =	shalt  }
0x67: {  	_ =	shalt  }
0x68: {  	_ =	shalt  }
0x69: {  	_ =	shalt  }
0x6a: {  	_ =	shalt  }
0x6b: {  	_ =	shalt  }
0x6c: {  	_ =	shalt  }
0x6d: {  	_ =	shalt  }
0x6e: {  	_ =	shalt  }
0x6f: {  	_ =	shalt  }
0x70: {  	_ =	shalt  }
0x71: {  	_ =	shalt  }
0x72: {  	_ =	shalt  }
0x73: {  	_ =	shalt  }
0x74: {  	_ =	shalt  }
0x75: {  	_ =	shalt  }
0x76: {  	_ =	shalt  }
0x77: {  	_ =	shalt  }
0x78: {  	_ =	shalt  }
0x79: {  	_ =	shalt  }
0x7a: {  	_ =	shalt  }
0x7b: {  	_ =	shalt  }
0x7c: {  	_ =	shalt  }
0x7d: {  	_ =	shalt  }
0x7e: {  	_ =	shalt  }
0x7f: {  	_ =	shalt  }
0x80: {  	_ =	shalt  }
0x81: {  	_ =	shalt  }
0x82: {  	_ =	shalt  }
0x83: {  	_ =	shalt  }
0x84: {  	_ =	shalt  }
0x85: {  	_ =	shalt  }
0x86: {  	_ =	shalt  }
0x87: {  	_ =	shalt  }
.Lfunc_end0:
.L_simem_size_0:
called_computation.2_lowered:
.L_overlay_start_0:
0x88: {  	s2 =	sld [smem:$0x3FD9]  }
0x89: {  	s3 =	sld [smem:$0x3FFE];
	_ =	sdelay $0x1  }
0x8a: {  	s1 =	srdreg.scid  }
0x8b: {  	s0 =	sand.u32 $0x1, s1  }
0x8c: {  	s17 =	sshll.u32 s0, $0xA;
	s2 =	sadd.s32 s3, s2  }
0x8d: {  	s2 =	sadd.s32 s2, s17  }
0x8e: {  	[smem:$0x3FC2] =	sst s2  }
0x8f: {  	_ = 	snop  }
0x90: {  	s2 =	sld [smem:$0x3FD0];
	(tm) =	ssettm $0x1  }
0x91: {  	s18 =	sld [smem:$0x3FFB];
	_ =	sdelay $0x3  }
0x92: {  	_ =	strace s18  }
0x93: {  	s3 =	sld [smem:$0x3FFC];
	_ =	sdelay $0x3  }
0x94: {  	_ =	strace s3  }
0x95: {  	s3 =	sld [smem:$0x3FFD];
	_ =	sdelay $0x3  }
0x96: {  	_ =	strace s3  }
0x97: {  	_ =	strace $0x8FFFFFFF  }
0x98: {  	s19 =	sld [smem:$0x3FDB];
	_ =	sdelay $0x1  }
0x99: {  	s4 =	simm.s32 $_scs_section_size  }
0x9a: {  	s5 =	simm.s32 $_size__tile_overlayer_lowered;
	s6 =	simm.s32 $_tile_overlayer_lowered  }
0x9b: {  	s22 =	simm.s32 $0x1BFF;
	s21 =	sshll.u32 s6, $0x1;
	s3 =	sadd.s32 s4, s19  }
0x9c: {  	s7 =	simm.s32 $0x0;
	s20 =	sshll.u32 s5, $0x1;
	s5 =	sadd.s32 s21, s3  }
0x9d: {  	[timem:s7], [sflag:s22] =	dma.local [hbm:s5], s20  }
0x9e: {  	_ =	swait.ge [sflag:s22], s20  }
0x9f: {  	s4 =	ssub.s32 $0x0, s20;
	[sflag:s22] =	ssyncset.done $0x0  }
0xa0: {  	[sflag:s22] =	ssyncadd.s32 s4;
	_ =	sdelay $0x1  }
0xa1: {  	s23 =	simm.s32 $0x1B8B  }
0xa2: {  	_ =	swait.ge [sflag:s23], $0x1  }
0xa3: {  	[sflag:s23] =	ssyncset.done $0x0  }
0xa4: {  	s25 =	simm.s32 $0x1B8E;
	s24 =	sld [smem:$0x3FFE];
	[sflag:s23] =	ssyncadd.s32 $0xFFFFFFFF  }
0xa5: {  	s26 =	simm.s32 $execute0_lowered;
	[smem:$0x3FD2] =	sst s25  }
0xa6: {  	s5 =	sshll.u32 s26, $0x1;
	_ =	strace $0x8000004C;
	[dreg:$0x1] =	wrdreg $0xFFFFFFFF  }
0xa7: {  	s28 =	simm.s32 $_size_execute0_lowered;
	s3 =	sadd.s32 s3, s5;
	[dreg:$0x0] =	wrdreg $0x0  }
0xa8: {  	s5 =	sshll.u32 s28, $0x1;
	[dreg:$0x2] =	wrdreg s3  }
0xa9: {  	[dreg:$0x3] =	wrdreg s5  }
0xaa: {  	[dreg:$0x4] =	wrdreg $0xC0  }
0xab: {  	_ =	task [dreg:s7], $0x5FFFF  }
0xac: {  	[dreg:$0x1] =	wrdreg $0xFFFFFFFF  }
0xad: {  	[dreg:$0x0] =	wrdreg $0x60  }
0xae: {  	[dreg:$0x2] =	wrdreg s2  }
0xaf: {  	[dreg:$0x3] =	wrdreg s24  }
0xb0: {  	[dreg:$0x4] =	wrdreg $0xA8000  }
0xb1: {  	[dreg:$0x5] =	wrdreg $0x9  }
0xb2: {  	_ =	task.clear_ibuf [dreg:s7], $0x6FFFF;
	_ =	strace $0x9000004C  }
0xb3: {  	s29 =	simm.s32 $0x9;
	_ =	strace $0x8000004E  }
0xb4: {  	_ =	swait.ge [sflag:s29], $0x1  }
0xb5: {  	[sflag:s29] =	ssyncadd.s32 $0xFFFFFFFF  }
0xb6: {  	_ =	strace $0x9000004E  }
0xb7: {  	_ =	sfence  }
0xb8: {  	s30 =	sld [smem:$0x0];
	_ =	sdelay $0x2  }
0xb9: {  	s31 =	sshll.u32 s1, $0xD;
	s1 =	sshrl.u32 s1, $0x2  }
0xba: {  	s3 =	sand.u32 $0x4000, s31;
	s1 =	sadd.s32 s1, s30  }
0xbb: {  	s0 =	sor.u32 s3, s0;
	s1 =	sshll.u32 s1, $0x11  }
0xbc: {  	s0 =	sor.u32 s1, s0  }
0xbd: {  	s0 =	sadd.s32 $0x8F2B, s0  }
0xbe: {  	[sflag:s0] =	ssyncadd.remote.s32 $0x1  }
0xbf: {  	_ =	sfence.sel $0xFFFF  }
0xc0: {  	[dreg:$0x0] =	wrdreg $0xFFFFFFFF;
	(pc) =	sbr.abs _section_cstart, $3  }
0xc1: {  	[dreg:$0x1] =	wrdreg $0xFFFFFFFF  }
0xc2: {  	_ =	task.clear_ibuf [dreg:s7], $0x2FFFF;
	_ =	strace $0x9FFFFFFF  }
0xc3: {  	(tm) =	ssettm $0x7FFFFFFF  }
tec
execute0_lowered:
.L_overlay_start_1:
0x0: {  	(tag) =	ssettag $0x1  }
0x1: {  	s1 =	rddreg [dreg:$0x0]  }
0x2: {  	s6 =	rddreg [dreg:$0x1]  }
0x3: {  	s2 =	rddreg [dreg:$0x2]  }
0x4: {  	s3 =	simm.s32 $0x0;
	s4 =	srdreg.scid;
	s15 =	simm.s32 $0x40  }
0x5: {  	s16 =	simm.s32 $0x2800;
	s17 =	simm.s32 $0x4800;
	s18 =	simm.s32 $0x80  }
0x6: {  	s19 =	simm.s32 $0x6800;
	s20 =	simm.s32 $0xC0;
	s21 =	simm.s32 $0x8800  }
0x7: {  	s22 =	simm.s32 $0x1;
	s28 =	simm.s32 $0x2780;
	s29 =	simm.s32 $0x0  }
0x8: {  	[smem:$0x7FF] =	sst s3;
	s10 =	sadd.s32 $0xC600, s6;
	s7 =	sand.u32 $0x1, s4  }
0x9: {  	s4 =	stileid.u32;
	s11 =	sadd.s32 $0x2600, s6;
	s8 =	smul.u32 $0x28000, s7  }
0xa: {  	s5 =	sadd.s32 $0x16600, s6;
	_ =	strace $0x8000004D;
	s13 =	smul.u32 $0x50000, s4  }
0xb: {  	s9 =	ssub.s32 $0x2, s7;
	s24 =	sshll.u32 s4, $0x1;
	s26 =	smul.u32 $0x7D000, s4  }
0xc: {  	s30 =	sshll.u32 s4, $0x6;
	p0 =	sgt.u32 s4, $0x9;
	s12 =	sshrl.u32 s9, $0x1  }
0xd: {  	s7 =	sor.u32 s7, s24;
	s24 =	smul.u32 $0x3E80, s4;
	s8 =	sadd.s32 s8, s6  }
0xe: {  	s9 =	ssub.s32 s9, s12;
	s25 =	sshrl.u32 s13, $0x2;
	s6 =	sor.u32 $0x1C03, s30  }
0xf: {  	s13 =	sshrl.u32 s26, $0x2;
	s14 =	smul.u32 $0x500, s7;
	s26 =	simm.s32 $0x2700  }
0x10: {  	s12 =	sadd.s32 s25, s2;
	s23 =	sadd.s32 $0x18E00, s8;
	s25 =	sadd.s32 s13, s2  }
0x11: {  	s7 =	smax.u32 s9, $0x1;
	s13 =	simm.s32 $0x3;
	s8 =	sadd.s32 s10, s14  }
0x12: {  	s31 =	sadd.s32 $0x280, s14;
	s9 =	sadd.s32 s11, s14;
	s12 =	sshrl.u32 s12, $0x3  }
0x13: {  	s14 =	simm.s32 $0x1400;
	s23 =	sadd.s32 @!p0 s24, s23;
	s24 =	simm.s32 $0x2  }
0x14: {  	s25 =	sshrl.u32 @!p0 s25, $0x3;
	s10 =	sadd.s32 s10, s31;
	s11 =	sadd.s32 s11, s31  }
.LBB2_1:
0x15: {  	[spmem:s12], [sflag:s6] =	dma.local [hbm:s5], $0x2800  }
0x16: {  	_ =	swait.ge [sflag:s13], $0x2800  }
0x17: {  	[sflag:s13] =	ssyncset.done $0x0  }
0x18: {  	[sflag:s13] =	ssyncadd.s32 $0xFFFFD800  }
0x19: {  	[bflag:$0x0] =	sbarrier.arrive $0xFFFF  }
0x1a: {  	[tilespmem:s3], [sflag:$0x3] =	stream.linear.gather [hbm4b:s8+s3], $0x1400, $0x38;
	[tilespmem:$0x1E800] =	vst v63  }
0x1b: {  	_ =	swait.ge [sflag:s13], $0x1400  }
0x1c: {  	[sflag:s13] =	ssyncset.done $0x0  }
0x1d: {  	[sflag:s13] =	ssyncadd.s32 $0xFFFFEC00  }
0x1e: {  	[tilespmem:s14], [sflag:$0x3] =	stream.linear.gather [hbm4b:s9+s3], $0x1400, $0x38;
	[tilespmem:$0x1E800] =	vst v63  }
0x1f: {  	_ =	swait.ge [sflag:s13], $0x1400  }
0x20: {  	[sflag:s13] =	ssyncset.done $0x0  }
0x21: {  	[sflag:s13] =	ssyncadd.s32 $0xFFFFEC00  }
0x22: {  	[tilespmem:s16], [sflag:$0x1] =	stream.indirect.gather [hbm4b:s1+s15], $0x80, s3, s15, $0xb8;
	[tilespmem:$0x1E800] =	vst v63  }
0x23: {  	_ = 	snop  }
0x24: {  	[tilespmem:s17], [sflag:$0x1] =	stream.indirect.gather [hbm4b:s1+s15], $0x80, s15, s15, $0xb8;
	[tilespmem:$0x1E800] =	vst v63  }
0x25: {  	_ = 	snop  }
0x26: {  	[tilespmem:s19], [sflag:$0x2] =	stream.indirect.gather [hbm4b:s1+s15], $0x80, s18, s15, $0xb8;
	[tilespmem:$0x1E800] =	vst v63  }
0x27: {  	_ = 	snop  }
0x28: {  	[tilespmem:s21], [sflag:$0x2] =	stream.indirect.gather [hbm4b:s1+s15], $0x80, s20, s15, $0xb8;
	[tilespmem:$0x1E800] =	vst v63  }
0x29: {  	_ =	swait.ge [sflag:s22], $0x2000  }
0x2a: {  	[sflag:s22] =	ssyncset.done $0x0  }
0x2b: {  	[sflag:s22] =	ssyncadd.s32 $0xFFFFE000  }
0x2c: {  	_ =	swait.ge [sflag:s22], $0x2000  }
0x2d: {  	[sflag:s22] =	ssyncset.done $0x0  }
0x2e: {  	s30 =	simm.s32 $0x1400;
	[sflag:s22] =	ssyncadd.s32 $0xFFFFE000  }
0x2f: {  	[spmem:s2] =	stream.indirect.scatter.add.f32 [tilespmem:s16], [sflag:$0x3], $0x80, s30, s18, $0xb8;
	[tilespmem:$0x1E800] =	vst v63  }
0x30: {  	_ =	swait.ge [sflag:s13], $0x4000  }
0x31: {  	[sflag:s13] =	ssyncset.done $0x0  }
0x32: {  	s30 =	simm.s32 $0x100;
	[sflag:s13] =	ssyncadd.s32 $0xFFFFC000  }
0x33: {  	[tilespmem:s16], [sflag:$0x1] =	stream.indirect.gather [hbm4b:s1+s15], $0x80, s30, s15, $0xb8;
	[tilespmem:$0x1E800] =	vst v63  }
0x34: {  	s30 =	simm.s32 $0x140  }
0x35: {  	[tilespmem:s17], [sflag:$0x1] =	stream.indirect.gather [hbm4b:s1+s15], $0x80, s30, s15, $0xb8;
	[tilespmem:$0x1E800] =	vst v63  }
0x36: {  	_ =	swait.ge [sflag:s24], $0x2000  }
0x37: {  	[sflag:s24] =	ssyncset.done $0x0  }
0x38: {  	[sflag:s24] =	ssyncadd.s32 $0xFFFFE000  }
0x39: {  	_ =	swait.ge [sflag:s24], $0x2000  }
0x3a: {  	[sflag:s24] =	ssyncset.done $0x0  }
0x3b: {  	s30 =	simm.s32 $0x1480;
	[sflag:s24] =	ssyncadd.s32 $0xFFFFE000  }
0x3c: {  	[spmem:s2] =	stream.indirect.scatter.add.f32 [tilespmem:s19], [sflag:$0x3], $0x80, s30, s18, $0xb8;
	[tilespmem:$0x1E800] =	vst v63  }
0x3d: {  	_ =	swait.ge [sflag:s13], $0x4000  }
0x3e: {  	[sflag:s13] =	ssyncset.done $0x0  }
0x3f: {  	s30 =	simm.s32 $0x180;
	[sflag:s13] =	ssyncadd.s32 $0xFFFFC000  }
0x40: {  	[tilespmem:s19], [sflag:$0x2] =	stream.indirect.gather [hbm4b:s1+s15], $0x80, s30, s15, $0xb8;
	[tilespmem:$0x1E800] =	vst v63  }
0x41: {  	s31 =	simm.s32 $0x1C0;
	s30 =	simm.s32 $0x400  }
.LBB2_2:
0x42: {  	[tilespmem:s21], [sflag:$0x2] =	stream.indirect.gather [hbm4b:s1+s15], $0x80, s31, s15, $0xb8;
	[tilespmem:$0x1E800] =	vst v63  }
0x43: {  	s31 =	smov.u32 s30  }
0x44: {  	p1 =	sne.s32 s30, $0x4800;
	s30 =	sadd.s32 $0x400, s30;
	_ =	swait.ge [sflag:s22], $0x2000  }
0x45: {  	[sflag:s22] =	ssyncset.done $0x0  }
0x46: {  	[sflag:s22] =	ssyncadd.s32 $0xFFFFE000  }
0x47: {  	_ =	swait.ge [sflag:s22], $0x2000  }
0x48: {  	s31 =	sshra.s32 s31, $0x2;
	[sflag:s22] =	ssyncset.done $0x0  }
0x49: {  	s0 =	sadd.s32 $0x1400, s31;
	[sflag:s22] =	ssyncadd.s32 $0xFFFFE000  }
0x4a: {  	[spmem:s2] =	stream.indirect.scatter.add.f32 [tilespmem:s16], [sflag:$0x3], $0x80, s0, s18, $0xb8;
	[tilespmem:$0x1E800] =	vst v63  }
0x4b: {  	_ =	swait.ge [sflag:s13], $0x4000  }
0x4c: {  	[sflag:s13] =	ssyncset.done $0x0  }
0x4d: {  	s0 =	sadd.s32 $0x100, s31;
	[sflag:s13] =	ssyncadd.s32 $0xFFFFC000  }
0x4e: {  	[tilespmem:s16], [sflag:$0x1] =	stream.indirect.gather [hbm4b:s1+s15], $0x80, s0, s15, $0xb8;
	[tilespmem:$0x1E800] =	vst v63  }
0x4f: {  	s0 =	sadd.s32 $0x140, s31  }
0x50: {  	[tilespmem:s17], [sflag:$0x1] =	stream.indirect.gather [hbm4b:s1+s15], $0x80, s0, s15, $0xb8;
	[tilespmem:$0x1E800] =	vst v63  }
0x51: {  	_ =	swait.ge [sflag:s24], $0x2000  }
0x52: {  	[sflag:s24] =	ssyncset.done $0x0  }
0x53: {  	[sflag:s24] =	ssyncadd.s32 $0xFFFFE000  }
0x54: {  	_ =	swait.ge [sflag:s24], $0x2000  }
0x55: {  	[sflag:s24] =	ssyncset.done $0x0  }
0x56: {  	s0 =	sadd.s32 $0x1480, s31;
	[sflag:s24] =	ssyncadd.s32 $0xFFFFE000  }
0x57: {  	[spmem:s2] =	stream.indirect.scatter.add.f32 [tilespmem:s19], [sflag:$0x3], $0x80, s0, s18, $0xb8;
	[tilespmem:$0x1E800] =	vst v63  }
.Ltmp0:
0x58: {  	_ =	swait.ge [sflag:s13], $0x4000;
	(pc) =	sbr.rel @p1 .LBB2_2-.Ltmp0, $4  }
0x59: {  	[sflag:s13] =	ssyncset.done $0x0  }
0x5a: {  	s0 =	sadd.s32 $0x180, s31;
	[sflag:s13] =	ssyncadd.s32 $0xFFFFC000  }
0x5b: {  	[tilespmem:s19], [sflag:$0x2] =	stream.indirect.gather [hbm4b:s1+s15], $0x80, s0, s15, $0xb8;
	[tilespmem:$0x1E800] =	vst v63  }
0x5c: {  	s31 =	sadd.s32 $0x1C0, s31  }
0x5d: {  	[tilespmem:s21], [sflag:$0x2] =	stream.indirect.gather [hbm4b:s1+s15], $0x80, s31, s15, $0xb8;
	[tilespmem:$0x1E800] =	vst v63  }
0x5e: {  	_ =	swait.ge [sflag:s22], $0x2000  }
0x5f: {  	[sflag:s22] =	ssyncset.done $0x0  }
0x60: {  	[sflag:s22] =	ssyncadd.s32 $0xFFFFE000  }
0x61: {  	_ =	swait.ge [sflag:s22], $0x2000  }
0x62: {  	[sflag:s22] =	ssyncset.done $0x0  }
0x63: {  	[sflag:s22] =	ssyncadd.s32 $0xFFFFE000  }
0x64: {  	[spmem:s2] =	stream.indirect.scatter.add.f32 [tilespmem:s16], [sflag:$0x3], $0x80, s26, s18, $0xb8;
	[tilespmem:$0x1E800] =	vst v63  }
0x65: {  	_ =	swait.ge [sflag:s13], $0x4000  }
0x66: {  	[sflag:s13] =	ssyncset.done $0x0  }
0x67: {  	[sflag:s13] =	ssyncadd.s32 $0xFFFFC000  }
0x68: {  	_ =	swait.ge [sflag:s24], $0x2000  }
0x69: {  	[sflag:s24] =	ssyncset.done $0x0  }
0x6a: {  	[sflag:s24] =	ssyncadd.s32 $0xFFFFE000  }
0x6b: {  	_ =	swait.ge [sflag:s24], $0x2000  }
0x6c: {  	[sflag:s24] =	ssyncset.done $0x0  }
0x6d: {  	[sflag:s24] =	ssyncadd.s32 $0xFFFFE000  }
0x6e: {  	[spmem:s2] =	stream.indirect.scatter.add.f32 [tilespmem:s19], [sflag:$0x3], $0x80, s28, s18, $0xb8;
	[tilespmem:$0x1E800] =	vst v63  }
0x6f: {  	_ =	swait.ge [sflag:s13], $0x4000  }
0x70: {  	[sflag:s13] =	ssyncset.done $0x0  }
0x71: {  	s0 =	simm.s32 $0x0;
	[sflag:s13] =	ssyncadd.s32 $0xFFFFC000  }
0x72: {  	[tilespmem:s0], [sflag:$0x3] =	stream.linear.gather [hbm4b:s10+s0], $0x1400, $0x38;
	[tilespmem:$0x1E800] =	vst v63  }
0x73: {  	_ =	swait.ge [sflag:s13], $0x1400  }
0x74: {  	[sflag:s13] =	ssyncset.done $0x0  }
0x75: {  	[sflag:s13] =	ssyncadd.s32 $0xFFFFEC00  }
0x76: {  	[tilespmem:s14], [sflag:$0x3] =	stream.linear.gather [hbm4b:s11+s0], $0x1400, $0x38;
	[tilespmem:$0x1E800] =	vst v63  }
0x77: {  	_ =	swait.ge [sflag:s13], $0x1400  }
0x78: {  	[sflag:s13] =	ssyncset.done $0x0  }
0x79: {  	[sflag:s13] =	ssyncadd.s32 $0xFFFFEC00  }
0x7a: {  	[tilespmem:s16], [sflag:$0x1] =	stream.indirect.gather [hbm4b:s1+s15], $0x80, s0, s15, $0xb8;
	[tilespmem:$0x1E800] =	vst v63  }
0x7b: {  	_ = 	snop  }
0x7c: {  	[tilespmem:s17], [sflag:$0x1] =	stream.indirect.gather [hbm4b:s1+s15], $0x80, s15, s15, $0xb8;
	[tilespmem:$0x1E800] =	vst v63  }
0x7d: {  	_ = 	snop  }
0x7e: {  	[tilespmem:s19], [sflag:$0x2] =	stream.indirect.gather [hbm4b:s1+s15], $0x80, s18, s15, $0xb8;
	[tilespmem:$0x1E800] =	vst v63  }
0x7f: {  	_ = 	snop  }
0x80: {  	[tilespmem:s21], [sflag:$0x2] =	stream.indirect.gather [hbm4b:s1+s15], $0x80, s20, s15, $0xb8;
	[tilespmem:$0x1E800] =	vst v63  }
0x81: {  	_ =	swait.ge [sflag:s22], $0x2000  }
0x82: {  	[sflag:s22] =	ssyncset.done $0x0  }
0x83: {  	[sflag:s22] =	ssyncadd.s32 $0xFFFFE000  }
0x84: {  	_ =	swait.ge [sflag:s22], $0x2000  }
0x85: {  	[sflag:s22] =	ssyncset.done $0x0  }
0x86: {  	s0 =	simm.s32 $0x1400;
	[sflag:s22] =	ssyncadd.s32 $0xFFFFE000  }
0x87: {  	[spmem:s2] =	stream.indirect.scatter.add.f32 [tilespmem:s16], [sflag:$0x3], $0x80, s0, s18, $0xb8;
	[tilespmem:$0x1E800] =	vst v63  }
0x88: {  	_ =	swait.ge [sflag:s13], $0x4000  }
0x89: {  	[sflag:s13] =	ssyncset.done $0x0  }
0x8a: {  	s0 =	simm.s32 $0x100;
	[sflag:s13] =	ssyncadd.s32 $0xFFFFC000  }
0x8b: {  	[tilespmem:s16], [sflag:$0x1] =	stream.indirect.gather [hbm4b:s1+s15], $0x80, s0, s15, $0xb8;
	[tilespmem:$0x1E800] =	vst v63  }
0x8c: {  	s0 =	simm.s32 $0x140  }
0x8d: {  	[tilespmem:s17], [sflag:$0x1] =	stream.indirect.gather [hbm4b:s1+s15], $0x80, s0, s15, $0xb8;
	[tilespmem:$0x1E800] =	vst v63  }
0x8e: {  	_ =	swait.ge [sflag:s24], $0x2000  }
0x8f: {  	[sflag:s24] =	ssyncset.done $0x0  }
0x90: {  	[sflag:s24] =	ssyncadd.s32 $0xFFFFE000  }
0x91: {  	_ =	swait.ge [sflag:s24], $0x2000  }
0x92: {  	[sflag:s24] =	ssyncset.done $0x0  }
0x93: {  	s0 =	simm.s32 $0x1480;
	[sflag:s24] =	ssyncadd.s32 $0xFFFFE000  }
0x94: {  	[spmem:s2] =	stream.indirect.scatter.add.f32 [tilespmem:s19], [sflag:$0x3], $0x80, s0, s18, $0xb8;
	[tilespmem:$0x1E800] =	vst v63  }
0x95: {  	_ =	swait.ge [sflag:s13], $0x4000  }
0x96: {  	s30 =	simm.s32 $0x400;
	[sflag:s13] =	ssyncset.done $0x0  }
0x97: {  	s31 =	simm.s32 $0x1C0;
	s0 =	simm.s32 $0x180;
	[sflag:s13] =	ssyncadd.s32 $0xFFFFC000  }
0x98: {  	[tilespmem:s19], [sflag:$0x2] =	stream.indirect.gather [hbm4b:s1+s15], $0x80, s0, s15, $0xb8;
	[tilespmem:$0x1E800] =	vst v63  }
.LBB2_4:
0x99: {  	[tilespmem:s21], [sflag:$0x2] =	stream.indirect.gather [hbm4b:s1+s15], $0x80, s31, s15, $0xb8;
	[tilespmem:$0x1E800] =	vst v63  }
0x9a: {  	s0 =	smov.u32 s30  }
0x9b: {  	p1 =	sne.s32 s30, $0x4800;
	s30 =	sadd.s32 $0x400, s30;
	_ =	swait.ge [sflag:s22], $0x2000  }
0x9c: {  	[sflag:s22] =	ssyncset.done $0x0  }
0x9d: {  	[sflag:s22] =	ssyncadd.s32 $0xFFFFE000  }
0x9e: {  	_ =	swait.ge [sflag:s22], $0x2000  }
0x9f: {  	s0 =	sshra.s32 s0, $0x2;
	[sflag:s22] =	ssyncset.done $0x0  }
0xa0: {  	s31 =	sadd.s32 $0x1400, s0;
	[sflag:s22] =	ssyncadd.s32 $0xFFFFE000  }
0xa1: {  	[spmem:s2] =	stream.indirect.scatter.add.f32 [tilespmem:s16], [sflag:$0x3], $0x80, s31, s18, $0xb8;
	[tilespmem:$0x1E800] =	vst v63  }
0xa2: {  	_ =	swait.ge [sflag:s13], $0x4000  }
0xa3: {  	[sflag:s13] =	ssyncset.done $0x0  }
0xa4: {  	s31 =	sadd.s32 $0x100, s0;
	[sflag:s13] =	ssyncadd.s32 $0xFFFFC000  }
0xa5: {  	[tilespmem:s16], [sflag:$0x1] =	stream.indirect.gather [hbm4b:s1+s15], $0x80, s31, s15, $0xb8;
	[tilespmem:$0x1E800] =	vst v63  }
0xa6: {  	s31 =	sadd.s32 $0x140, s0  }
0xa7: {  	[tilespmem:s17], [sflag:$0x1] =	stream.indirect.gather [hbm4b:s1+s15], $0x80, s31, s15, $0xb8;
	[tilespmem:$0x1E800] =	vst v63  }
0xa8: {  	_ =	swait.ge [sflag:s24], $0x2000  }
0xa9: {  	[sflag:s24] =	ssyncset.done $0x0  }
0xaa: {  	[sflag:s24] =	ssyncadd.s32 $0xFFFFE000  }
0xab: {  	_ =	swait.ge [sflag:s24], $0x2000  }
0xac: {  	[sflag:s24] =	ssyncset.done $0x0  }
0xad: {  	s31 =	sadd.s32 $0x1480, s0;
	[sflag:s24] =	ssyncadd.s32 $0xFFFFE000  }
0xae: {  	[spmem:s2] =	stream.indirect.scatter.add.f32 [tilespmem:s19], [sflag:$0x3], $0x80, s31, s18, $0xb8;
	[tilespmem:$0x1E800] =	vst v63  }
.Ltmp1:
0xaf: {  	_ =	swait.ge [sflag:s13], $0x4000;
	(pc) =	sbr.rel @p1 .LBB2_4-.Ltmp1, $4  }
0xb0: {  	[sflag:s13] =	ssyncset.done $0x0  }
0xb1: {  	s31 =	sadd.s32 $0x180, s0;
	[sflag:s13] =	ssyncadd.s32 $0xFFFFC000  }
0xb2: {  	[tilespmem:s19], [sflag:$0x2] =	stream.indirect.gather [hbm4b:s1+s15], $0x80, s31, s15, $0xb8;
	[tilespmem:$0x1E800] =	vst v63  }
0xb3: {  	s31 =	sadd.s32 $0x1C0, s0  }
0xb4: {  	[tilespmem:s21], [sflag:$0x2] =	stream.indirect.gather [hbm4b:s1+s15], $0x80, s31, s15, $0xb8;
	[tilespmem:$0x1E800] =	vst v63  }
0xb5: {  	_ =	swait.ge [sflag:s22], $0x2000  }
0xb6: {  	[sflag:s22] =	ssyncset.done $0x0  }
0xb7: {  	[sflag:s22] =	ssyncadd.s32 $0xFFFFE000  }
0xb8: {  	_ =	swait.ge [sflag:s22], $0x2000  }
0xb9: {  	[sflag:s22] =	ssyncset.done $0x0  }
0xba: {  	[sflag:s22] =	ssyncadd.s32 $0xFFFFE000  }
0xbb: {  	[spmem:s2] =	stream.indirect.scatter.add.f32 [tilespmem:s16], [sflag:$0x3], $0x80, s26, s18, $0xb8;
	[tilespmem:$0x1E800] =	vst v63  }
0xbc: {  	_ =	swait.ge [sflag:s13], $0x4000  }
0xbd: {  	[sflag:s13] =	ssyncset.done $0x0  }
0xbe: {  	[sflag:s13] =	ssyncadd.s32 $0xFFFFC000  }
0xbf: {  	_ =	swait.ge [sflag:s24], $0x2000  }
0xc0: {  	[sflag:s24] =	ssyncset.done $0x0  }
0xc1: {  	[sflag:s24] =	ssyncadd.s32 $0xFFFFE000  }
0xc2: {  	_ =	swait.ge [sflag:s24], $0x2000  }
0xc3: {  	[sflag:s24] =	ssyncset.done $0x0  }
0xc4: {  	[sflag:s24] =	ssyncadd.s32 $0xFFFFE000  }
0xc5: {  	[spmem:s2] =	stream.indirect.scatter.add.f32 [tilespmem:s19], [sflag:$0x3], $0x80, s28, s18, $0xb8;
	[tilespmem:$0x1E800] =	vst v63  }
0xc6: {  	_ =	swait.ge [sflag:s13], $0x4000  }
0xc7: {  	s29 =	sadd.s32 $0x1, s29;
	[sflag:s13] =	ssyncset.done $0x0  }
0xc8: {  	p1 =	sne.s32 s29, s7;
	[sflag:s13] =	ssyncadd.s32 $0xFFFFC000  }
.Ltmp2:
0xc9: {  	s0 =	simm.s32 @!p0 $0x3;
	[bflag:$0x0] =	sbarrier.arrive $0xFFFF;
	(pc) =	sbr.rel @p1 .LBB2_1-.Ltmp2, $4  }
0xca: {  	[hbm:s23], [sflag:s6] =	dma.local @!p0 [spmem:s25], $0x3E80  }
0xcb: {  	_ =	swait.ge @!p0 [sflag:s0], $0x3E80  }
0xcc: {  	[sflag:s0] =	ssyncset.done @!p0 $0x0  }
0xcd: {  	[sflag:s0] =	ssyncadd.s32 @!p0 $0xFFFFC180  }
0xce: {  	_ =	sfence.sel $0x180000  }
0xcf: {  	[bflag:$0x0] =	sbarrier.arrive $0xFFFF  }
0xd0: {  	_ =	strace $0x9000004D  }
0xd1: {  	[bflag:$0x2] =	sbarrier.arrive $0xFFFF  }
0xd2: {  	p0 =	sne.s32 s4, $0x0;
	s0 =	rddreg [dreg:$0x3]  }
0xd3: {  	s0 =	sadd.s32 @!p0 $0x100000, s0  }
0xd4: {  	[sflag:s0] =	ssyncadd.tile.s32 @!p0 $0x1;
	_ =	shalt  }
.Lfunc_end2:
_tile_overlayer_lowered:
.L_overlay_start_2:
0xd5: {  	(tag) =	ssettag $0x2  }
0xd6: {  	s0 =	rddreg [dreg:$0x0];
	s2 =	stileid.u32  }
0xd7: {  	s1 =	rddreg [dreg:$0x1];
	p0 =	sne.s32 s2, $0x0  }
0xd8: {  	s3 =	rddreg [dreg:$0x2];
	[bflag:$0x3] =	sbarrier.arrive $0xFFFF;
	s2 =	simm.s32 @!p0 $0x1C03  }
0xd9: {  	[timem:s3], [sflag:s2] =	dma.local @!p0 [hbm:s0], s1  }
0xda: {  	s0 =	simm.s32 @!p0 $0x3  }
0xdb: {  	_ =	swait.ge @!p0 [sflag:s0], s1  }
0xdc: {  	s1 =	ssub.s32 @!p0 $0x0, s1;
	[sflag:s0] =	ssyncset.done @!p0 $0x0  }
0xdd: {  	[sflag:s0] =	ssyncadd.s32 @!p0 s1  }
0xde: {  	[bflag:$0x3] =	sbarrier.arrive $0xFFFF  }
0xdf: {  	_ =	shalt  }

// kernel: kernel.9.cloned.1.call-start
scs
__scs_entry_jumppad:
0x0: {  	(pc) =	sbr.rel $0x88, $3  }
0x1: {  	(tag) =	ssettag $0x0;
	lr =	simm.s32 $0x1  }
0x2: {  	[smem:$0x3F9B] =	sst lr;
	_ =	strace $0xD0000000  }
0x3: {  	_ = 	snop  }
0x4: {  	_ = 	snop  }
0x5: {  	_ = 	snop  }
0x6: {  	_ = 	snop  }
0x7: {  	_ = 	snop  }
__scs_overlays_trampoline_lowered:
0x8: {  	[smem:$0x3FAA] =	sst s0  }
0x9: {  	[smem:$0x3FAB] =	sst s1  }
0xa: {  	[smem:$0x3FAC] =	sst s2  }
0xb: {  	[smem:$0x3FAD] =	sst s3  }
0xc: {  	[smem:$0x3FAE] =	sst s4  }
0xd: {  	[smem:$0x3FAF] =	sst s5  }
0xe: {  	[smem:$0x3FB0] =	sst s6  }
0xf: {  	[smem:$0x3FB1] =	sst s7  }
0x10: {  	[smem:$0x3FB2] =	sst s8  }
0x11: {  	[smem:$0x3FB3] =	sst s9;
	s0 =	simm.s32 @!p0 $0x0  }
0x12: {  	s1 =	sld [smem:$0x3F99];
	s0 =	simm.s32 @p0 $0x1  }
0x13: {  	[smem:$0x3FB4] =	sst s0;
	s0 =	simm.s32 @!p1 $0x0  }
0x14: {  	s2 =	sld [smem:$0x3F98];
	s0 =	simm.s32 @p1 $0x1  }
0x15: {  	[smem:$0x3FB5] =	sst s0;
	s0 =	simm.s32 @!p2 $0x0  }
0x16: {  	s3 =	sld [smem:$0x3FDB];
	s0 =	simm.s32 @p2 $0x1  }
0x17: {  	s4 =	simm.s32 $0x1BF5;
	[smem:$0x3FB7] =	sst s0  }
0x18: {  	s0 =	sld [smem:$0x3F9A];
	_ =	swait.ge [sflag:s4], $0x0  }
0x19: {  	s7 =	sld [smem:$0x3F9B]  }
0x1a: {  	s8 =	sadd.s32 $0xFFFFE003, lr  }
0x1b: {  	s9 =	sadd.s32 $0xFFFFFEF7, lr;
	s5 =	simm.s32 $0xFFFFFFFF;
	p2 =	slt.u32 s8, $0xFFFFF086  }
0x1c: {  	p1 =	slt.u32 s9, $0xF7A;
	s5 =	simm.s32 @!p2 $0x0  }
0x1d: {  	s5 =	simm.s32 @p1 $0x1;
	p0 =	seq.s32 s7, s2  }
0x1e: {  	s7 =	smul.u32 @!p0 $0xF7A, s2;
	p2 =	seq.s32 @!p0 s5, $0x0  }
0x1f: {  	s9 =	smul.u32 $0xF7A, s1;
	s8 =	simm.s32 @!p0 $0x1BF5;
	p2 =	por !p2, p0  }
0x20: {  	[sflag:s8] =	ssyncset.s32 @!p0 $0xFFFFF086;
	s6 =	sadd.s32 @!p0 s3, s7;
	s7 =	simm.s32 @!p0 $0x108  }
0x21: {  	s3 =	sadd.s32 s3, s9;
	s6 =	sadd.s32 @!p0 $0x88, s6;
	s7 =	simm.s32 @p2 $0x1082  }
0x22: {  	[simem:s7], [sflag:s8] =	dma.local @!p0 [hbm:s6], $0xF7A  }
0x23: {  	s9 =	sor.u32 $0xD0000000, s2;
	s6 =	simm.s32 $0x108;
	_ =	swait.ge @!p0 [sflag:s8], $0x0  }
0x24: {  	s3 =	sadd.s32 $0x88, s3;
	s6 =	simm.s32 @!p1 $0x1082;
	[sflag:s4] =	ssyncset.s32 $0xFFFFF086  }
0x25: {  	[simem:s6], [sflag:s4] =	dma.local [hbm:s3], $0xF7A  }
0x26: {  	[smem:$0x3F9B] =	sst s1;
	(tag) =	ssettag s2;
	_ =	strace s9  }
0x27: {  	s1 =	sld [smem:$0x3FAB]  }
0x28: {  	s2 =	sld [smem:$0x3FAC]  }
0x29: {  	s4 =	sld [smem:$0x3FAE]  }
0x2a: {  	p0 =	seq.s32 s5, $0x0;
	s5 =	sld [smem:$0x3FAF]  }
0x2b: {  	s6 =	sld [smem:$0x3FB0]  }
0x2c: {  	s7 =	sld [smem:$0x3FB1]  }
0x2d: {  	s3 =	simm.s32 $0x108;
	s8 =	sld [smem:$0x3FB2]  }
0x2e: {  	s3 =	simm.s32 @!p0 $0x1082;
	s9 =	sld [smem:$0x3FB3]  }
0x2f: {  	lr =	sadd.s32 s0, s3;
	s0 =	sld [smem:$0x3FAA]  }
0x30: {  	s3 =	sld [smem:$0x3FAD]  }
0x31: {  	[smem:$0x3FB6] =	sst s10  }
0x32: {  	s10 =	sld [smem:$0x3FB4];
	_ =	sdelay $0x3  }
0x33: {  	p0 =	seq.s32 s10, $0x1;
	s10 =	sld [smem:$0x3FB6];
	_ =	sdelay $0x3  }
0x34: {  	[smem:$0x3FB6] =	sst s10  }
0x35: {  	s10 =	sld [smem:$0x3FB5];
	_ =	sdelay $0x3  }
0x36: {  	p1 =	seq.s32 s10, $0x1;
	s10 =	sld [smem:$0x3FB6];
	_ =	sdelay $0x3  }
0x37: {  	[smem:$0x3FB6] =	sst s10  }
0x38: {  	s10 =	sld [smem:$0x3FB7]  }
0x39: {  	_ = 	snop;
	(pc) =	sbr.ind lr, $3  }
0x3a: {  	_ = 	snop  }
0x3b: {  	_ = 	snop  }
0x3c: {  	p2 =	seq.s32 s10, $0x1;
	s10 =	sld [smem:$0x3FB6]  }
0x3d: {  	_ =	shalt  }
0x3e: {  	_ =	shalt  }
0x3f: {  	_ =	shalt  }
0x40: {  	_ =	shalt  }
0x41: {  	_ =	shalt  }
0x42: {  	_ =	shalt  }
0x43: {  	_ =	shalt  }
0x44: {  	_ =	shalt  }
0x45: {  	_ =	shalt  }
0x46: {  	_ =	shalt  }
0x47: {  	_ =	shalt  }
0x48: {  	_ =	shalt  }
0x49: {  	_ =	shalt  }
0x4a: {  	_ =	shalt  }
0x4b: {  	_ =	shalt  }
0x4c: {  	_ =	shalt  }
0x4d: {  	_ =	shalt  }
0x4e: {  	_ =	shalt  }
0x4f: {  	_ =	shalt  }
0x50: {  	_ =	shalt  }
0x51: {  	_ =	shalt  }
0x52: {  	_ =	shalt  }
0x53: {  	_ =	shalt  }
0x54: {  	_ =	shalt  }
0x55: {  	_ =	shalt  }
0x56: {  	_ =	shalt  }
0x57: {  	_ =	shalt  }
0x58: {  	_ =	shalt  }
0x59: {  	_ =	shalt  }
0x5a: {  	_ =	shalt  }
0x5b: {  	_ =	shalt  }
0x5c: {  	_ =	shalt  }
0x5d: {  	_ =	shalt  }
0x5e: {  	_ =	shalt  }
0x5f: {  	_ =	shalt  }
0x60: {  	_ =	shalt  }
0x61: {  	_ =	shalt  }
0x62: {  	_ =	shalt  }
0x63: {  	_ =	shalt  }
0x64: {  	_ =	shalt  }
0x65: {  	_ =	shalt  }
0x66: {  	_ =	shalt  }
0x67: {  	_ =	shalt  }
0x68: {  	_ =	shalt  }
0x69: {  	_ =	shalt  }
0x6a: {  	_ =	shalt  }
0x6b: {  	_ =	shalt  }
0x6c: {  	_ =	shalt  }
0x6d: {  	_ =	shalt  }
0x6e: {  	_ =	shalt  }
0x6f: {  	_ =	shalt  }
0x70: {  	_ =	shalt  }
0x71: {  	_ =	shalt  }
0x72: {  	_ =	shalt  }
0x73: {  	_ =	shalt  }
0x74: {  	_ =	shalt  }
0x75: {  	_ =	shalt  }
0x76: {  	_ =	shalt  }
0x77: {  	_ =	shalt  }
0x78: {  	_ =	shalt  }
0x79: {  	_ =	shalt  }
0x7a: {  	_ =	shalt  }
0x7b: {  	_ =	shalt  }
0x7c: {  	_ =	shalt  }
0x7d: {  	_ =	shalt  }
0x7e: {  	_ =	shalt  }
0x7f: {  	_ =	shalt  }
0x80: {  	_ =	shalt  }
0x81: {  	_ =	shalt  }
0x82: {  	_ =	shalt  }
0x83: {  	_ =	shalt  }
0x84: {  	_ =	shalt  }
0x85: {  	_ =	shalt  }
0x86: {  	_ =	shalt  }
0x87: {  	_ =	shalt  }
.Lfunc_end0:
.L_simem_size_0:
called_computation_lowered:
.L_overlay_start_0:
0x88: {  	s2 =	sld [smem:$0x3FD9]  }
0x89: {  	s3 =	sld [smem:$0x3FFE];
	_ =	sdelay $0x1  }
0x8a: {  	s1 =	srdreg.scid  }
0x8b: {  	s0 =	sand.u32 $0x1, s1  }
0x8c: {  	s17 =	sshll.u32 s0, $0xA;
	s2 =	sadd.s32 s3, s2  }
0x8d: {  	s2 =	sadd.s32 s2, s17  }
0x8e: {  	[smem:$0x3FC2] =	sst s2  }
0x8f: {  	_ = 	snop  }
0x90: {  	s2 =	sld [smem:$0x3FD0];
	(tm) =	ssettm $0x1  }
0x91: {  	s18 =	sld [smem:$0x3FFB];
	_ =	sdelay $0x3  }
0x92: {  	_ =	strace s18  }
0x93: {  	s3 =	sld [smem:$0x3FFC];
	_ =	sdelay $0x3  }
0x94: {  	_ =	strace s3  }
0x95: {  	s3 =	sld [smem:$0x3FFD];
	_ =	sdelay $0x3  }
0x96: {  	_ =	strace s3  }
0x97: {  	_ =	strace $0x8FFFFFFF  }
0x98: {  	s19 =	sld [smem:$0x3FDB];
	_ =	sdelay $0x1  }
0x99: {  	s4 =	simm.s32 $_scs_section_size  }
0x9a: {  	s5 =	simm.s32 $_size__tile_overlayer_lowered;
	s6 =	simm.s32 $_tile_overlayer_lowered  }
0x9b: {  	s22 =	simm.s32 $0x1BFF;
	s21 =	sshll.u32 s6, $0x1;
	s3 =	sadd.s32 s4, s19  }
0x9c: {  	s7 =	simm.s32 $0x0;
	s20 =	sshll.u32 s5, $0x1;
	s5 =	sadd.s32 s21, s3  }
0x9d: {  	[timem:s7], [sflag:s22] =	dma.local [hbm:s5], s20  }
0x9e: {  	_ =	swait.ge [sflag:s22], s20  }
0x9f: {  	s4 =	ssub.s32 $0x0, s20;
	[sflag:s22] =	ssyncset.done $0x0  }
0xa0: {  	[sflag:s22] =	ssyncadd.s32 s4;
	_ =	sdelay $0x1  }
0xa1: {  	s23 =	simm.s32 $0x1B8B  }
0xa2: {  	_ =	swait.ge [sflag:s23], $0x1  }
0xa3: {  	[sflag:s23] =	ssyncset.done $0x0  }
0xa4: {  	s25 =	simm.s32 $0x1B8E;
	s24 =	sld [smem:$0x3FFE];
	[sflag:s23] =	ssyncadd.s32 $0xFFFFFFFF  }
0xa5: {  	s26 =	simm.s32 $execute0_lowered;
	[smem:$0x3FD2] =	sst s25  }
0xa6: {  	s5 =	sshll.u32 s26, $0x1;
	_ =	strace $0x80000046;
	[dreg:$0x1] =	wrdreg $0xFFFFFFFF  }
0xa7: {  	s28 =	simm.s32 $_size_execute0_lowered;
	s3 =	sadd.s32 s3, s5;
	[dreg:$0x0] =	wrdreg $0x0  }
0xa8: {  	s5 =	sshll.u32 s28, $0x1;
	[dreg:$0x2] =	wrdreg s3  }
0xa9: {  	[dreg:$0x3] =	wrdreg s5  }
0xaa: {  	[dreg:$0x4] =	wrdreg $0xC0  }
0xab: {  	_ =	task [dreg:s7], $0x5FFFF  }
0xac: {  	[dreg:$0x1] =	wrdreg $0xFFFFFFFF  }
0xad: {  	[dreg:$0x0] =	wrdreg $0x60  }
0xae: {  	[dreg:$0x2] =	wrdreg s24  }
0xaf: {  	[dreg:$0x3] =	wrdreg s2  }
0xb0: {  	[dreg:$0x4] =	wrdreg $0x55000  }
0xb1: {  	[dreg:$0x5] =	wrdreg $0x9  }
0xb2: {  	_ =	task.clear_ibuf [dreg:s7], $0x6FFFF;
	_ =	strace $0x90000046  }
0xb3: {  	s29 =	simm.s32 $0x9;
	_ =	strace $0x80000048  }
0xb4: {  	_ =	swait.ge [sflag:s29], $0x1  }
0xb5: {  	[sflag:s29] =	ssyncadd.s32 $0xFFFFFFFF  }
0xb6: {  	_ =	strace $0x90000048  }
0xb7: {  	_ =	sfence  }
0xb8: {  	s30 =	sld [smem:$0x0];
	_ =	sdelay $0x2  }
0xb9: {  	s31 =	sshll.u32 s1, $0xD;
	s1 =	sshrl.u32 s1, $0x2  }
0xba: {  	s3 =	sand.u32 $0x4000, s31;
	s1 =	sadd.s32 s1, s30  }
0xbb: {  	s0 =	sor.u32 s3, s0;
	s1 =	sshll.u32 s1, $0x11  }
0xbc: {  	s0 =	sor.u32 s1, s0  }
0xbd: {  	s0 =	sadd.s32 $0x8F2B, s0  }
0xbe: {  	[sflag:s0] =	ssyncadd.remote.s32 $0x1  }
0xbf: {  	_ =	sfence.sel $0xFFFF  }
0xc0: {  	[dreg:$0x0] =	wrdreg $0xFFFFFFFF;
	(pc) =	sbr.abs _section_cstart, $3  }
0xc1: {  	[dreg:$0x1] =	wrdreg $0xFFFFFFFF  }
0xc2: {  	_ =	task.clear_ibuf [dreg:s7], $0x2FFFF;
	_ =	strace $0x9FFFFFFF  }
0xc3: {  	(tm) =	ssettm $0x7FFFFFFF  }
tec
execute0_lowered:
.L_overlay_start_1:
0x0: {  	(tag) =	ssettag $0x1  }
0x1: {  	s3 =	rddreg [dreg:$0x0]  }
0x2: {  	s6 =	rddreg [dreg:$0x1];
	s1 =	srdreg.scid  }
0x3: {  	s0 =	stileid.u32;
	s5 =	rddreg [dreg:$0x2];
	s2 =	simm.s32 $0x0  }
0x4: {  	s12 =	simm.s32 $0x5000;
	s13 =	simm.s32 $0x100;
	s14 =	simm.s32 $0x5280  }
0x5: {  	s15 =	simm.s32 $0x0;
	s4 =	sand.u32 $0x1, s1;
	s1 =	rddreg [dreg:$0x3]  }
0x6: {  	s7 =	sshll.u32 s0, $0x1;
	[smem:$0x7FF] =	sst s2;
	s28 =	smul.u32 $0x500, s0  }
0x7: {  	s9 =	sshrl.u32 s0, $0x3;
	s10 =	sshll.u32 s0, $0x7;
	s11 =	smul.u32 $0x5000, s0  }
0x8: {  	s7 =	sor.u32 s4, s7;
	_ =	strace $0x80000047;
	s8 =	ssub.s32 $0x2, s4  }
0x9: {  	s9 =	smul.u32 $0x50000, s9;
	s4 =	sshll.u32 s4, $0x7;
	s10 =	sand.u32 $0x380, s10  }
0xa: {  	s7 =	smul.u32 $0x500, s7;
	s26 =	sshrl.u32 s8, $0x1;
	s4 =	sor.u32 s4, s28  }
0xb: {  	s30 =	sshrl.u32 s11, $0x2;
	s11 =	simm.s32 $0x400;
	s9 =	sshrl.u32 s9, $0x2  }
0xc: {  	s31 =	sshrl.u32 s4, $0x3;
	s3 =	sadd.s32 s7, s3;
	s7 =	ssub.s32 s8, s26  }
0xd: {  	s29 =	sadd.s32 s9, s5;
	s5 =	sadd.s32 s30, s5;
	s6 =	sadd.s32 s6, s31  }
0xe: {  	s8 =	simm.s32 $0x1;
	s9 =	simm.s32 $0x2800;
	s3 =	sadd.s32 $0x2600, s3  }
0xf: {  	v0 =	vimm.f32 $0.0e+00;
	v1 =	vimm.f32 $1.000000000e+00;
	s4 =	sadd.s32 s10, s29;
	s7 =	smax.u32 s7, $0x1;
	s10 =	simm.s32 $0x80  }
.LBB2_1:
0x10: {  	[tilespmem:s2], [sflag:$0x1] =	stream.linear.gather [hbm4b:s3+s2], $0x2800, $0x38;
	[tilespmem:$0x7D00] =	vst v63  }
0x11: {  	_ =	swait.ge [sflag:s8], $0x2800  }
0x12: {  	[sflag:s8] =	ssyncset.done $0x0  }
0x13: {  	s16 =	simm.s32 $0x0;
	[sflag:s8] =	ssyncadd.s32 $0xFFFFD800  }
.LBB2_2:
0x14: {  	p0 =	sne.s32 s16, $0x9FC0  }
.Ltmp0:
0x15: {  	_ = 	snop;
	(pc) =	sbr.rel @p0 .LBB2_2-.Ltmp0, $3  }
0x16: {  	_ =	sdelay $0x1  }
0x17: {  	s17 =	sshra.s32 s16, $0x2  }
0x18: {  	s16 =	sadd.s32 $0x40, s16;
	[tilespmem:s17+$0x2800] =	vst v0  }
0x19: {  	s16 =	simm.s32 $0x0  }
.LBB2_4:
0x1a: {  	s17 =	sshra.s32 s16, $0x2  }
0x1b: {  	v2 =	vld [tilespmem:s17+$0x0];
	_ =	sdelay $0x7  }
0x1c: {  	[tilespmem:v2+s9+$0x0] =	vst.idx.add.f32.msk $0xffff, v1  }
0x1d: {  	v2 =	vld [tilespmem:s17+$0x10];
	_ =	sdelay $0x7  }
0x1e: {  	[tilespmem:v2+s9+$0x0] =	vst.idx.add.f32.msk $0xffff, v1  }
0x1f: {  	v2 =	vld [tilespmem:s17+$0x20];
	_ =	sdelay $0x7  }
0x20: {  	[tilespmem:v2+s9+$0x0] =	vst.idx.add.f32.msk $0xffff, v1  }
0x21: {  	v2 =	vld [tilespmem:s17+$0x30];
	_ =	sdelay $0x7  }
0x22: {  	[tilespmem:v2+s9+$0x0] =	vst.idx.add.f32.msk $0xffff, v1  }
0x23: {  	v2 =	vld [tilespmem:s17+$0x40];
	_ =	sdelay $0x7  }
0x24: {  	[tilespmem:v2+s9+$0x0] =	vst.idx.add.f32.msk $0xffff, v1  }
0x25: {  	v2 =	vld [tilespmem:s17+$0x50];
	_ =	sdelay $0x7  }
0x26: {  	[tilespmem:v2+s9+$0x0] =	vst.idx.add.f32.msk $0xffff, v1  }
0x27: {  	v2 =	vld [tilespmem:s17+$0x60];
	_ =	sdelay $0x7  }
0x28: {  	[tilespmem:v2+s9+$0x0] =	vst.idx.add.f32.msk $0xffff, v1  }
0x29: {  	v2 =	vld [tilespmem:s17+$0x70];
	_ =	sdelay $0x2  }
0x2a: {  	p0 =	sne.s32 s16, $0x9E00  }
.Ltmp1:
0x2b: {  	_ = 	snop;
	(pc) =	sbr.rel @p0 .LBB2_4-.Ltmp1, $2  }
0x2c: {  	_ =	sdelay $0x2  }
0x2d: {  	s16 =	sadd.s32 $0x200, s16;
	[tilespmem:v2+s9+$0x0] =	vst.idx.add.f32.msk $0xffff, v1  }
0x2e: {  	[spmem:s4] =	stream.strided.scatter [tilespmem:s9], [sflag:$0x1], $0x2800, s11, s10, $0x38;
	[tilespmem:$0x7D00] =	vst v63  }
0x2f: {  	_ =	swait.ge [sflag:s8], $0x2800  }
0x30: {  	[sflag:s8] =	ssyncset.done $0x0  }
0x31: {  	[sflag:s8] =	ssyncadd.s32 $0xFFFFD800  }
0x32: {  	[bflag:$0x0] =	sbarrier.arrive $0xFFFF  }
0x33: {  	[tilespmem:$0x5280] =	vst v0  }
0x34: {  	[tilespmem:$0x5290] =	vst v0  }
0x35: {  	[tilespmem:$0x52A0] =	vst v0  }
0x36: {  	[tilespmem:$0x52B0] =	vst v0  }
0x37: {  	[tilespmem:$0x52C0] =	vst v0  }
0x38: {  	[tilespmem:$0x52D0] =	vst v0  }
0x39: {  	[tilespmem:$0x52E0] =	vst v0  }
0x3a: {  	[tilespmem:$0x52F0] =	vst v0  }
0x3b: {  	[tilespmem:$0x5300] =	vst v0  }
0x3c: {  	[tilespmem:$0x5310] =	vst v0  }
0x3d: {  	[tilespmem:$0x5320] =	vst v0  }
0x3e: {  	[tilespmem:$0x5330] =	vst v0  }
0x3f: {  	[tilespmem:$0x5340] =	vst v0  }
0x40: {  	[tilespmem:$0x5350] =	vst v0  }
0x41: {  	[tilespmem:$0x5360] =	vst v0  }
0x42: {  	[tilespmem:$0x5370] =	vst v0  }
0x43: {  	[tilespmem:$0x5380] =	vst v0  }
0x44: {  	[tilespmem:$0x5390] =	vst v0  }
0x45: {  	[tilespmem:$0x53A0] =	vst v0  }
0x46: {  	[tilespmem:$0x53B0] =	vst v0  }
0x47: {  	[tilespmem:$0x53C0] =	vst v0  }
0x48: {  	[tilespmem:$0x53D0] =	vst v0  }
0x49: {  	[tilespmem:$0x53E0] =	vst v0  }
0x4a: {  	[tilespmem:$0x53F0] =	vst v0  }
0x4b: {  	[tilespmem:$0x5400] =	vst v0  }
0x4c: {  	[tilespmem:$0x5410] =	vst v0  }
0x4d: {  	[tilespmem:$0x5420] =	vst v0  }
0x4e: {  	[tilespmem:$0x5430] =	vst v0  }
0x4f: {  	[tilespmem:$0x5440] =	vst v0  }
0x50: {  	[tilespmem:$0x5450] =	vst v0  }
0x51: {  	[tilespmem:$0x5460] =	vst v0  }
0x52: {  	[tilespmem:$0x5470] =	vst v0  }
0x53: {  	[tilespmem:$0x5480] =	vst v0  }
0x54: {  	[tilespmem:$0x5490] =	vst v0  }
0x55: {  	[tilespmem:$0x54A0] =	vst v0  }
0x56: {  	[tilespmem:$0x54B0] =	vst v0  }
0x57: {  	[tilespmem:$0x54C0] =	vst v0  }
0x58: {  	[tilespmem:$0x54D0] =	vst v0  }
0x59: {  	[tilespmem:$0x54E0] =	vst v0  }
0x5a: {  	s16 =	simm.s32 $0x0;
	[tilespmem:$0x54F0] =	vst v0  }
.LBB2_6:
0x5b: {  	s17 =	sshrl.u32 s16, $0x3  }
0x5c: {  	s17 =	smul.u32 $0x50000, s17;
	_ =	sdelay $0x1  }
0x5d: {  	s18 =	sshll.u32 s16, $0x7;
	s17 =	sshra.s32 s17, $0x2  }
0x5e: {  	s18 =	sand.u32 $0x380, s18;
	s17 =	sadd.s32 s17, s5  }
0x5f: {  	s17 =	sadd.s32 s18, s17  }
0x60: {  	[tilespmem:s12], [sflag:$0x1] =	stream.strided.gather [spmem:s17], $0x280, s11, s10, $0x38;
	[tilespmem:$0x7D00] =	vst v63  }
0x61: {  	_ =	swait.ge [sflag:s8], $0x280  }
0x62: {  	[sflag:s8] =	ssyncset.done $0x0  }
0x63: {  	s17 =	simm.s32 $0x0;
	[sflag:s8] =	ssyncadd.s32 $0xFFFFFD80  }
0x64: {  	s18 =	simm.s32 $0x40;
	v2 =	vld [tilespmem:s17+$0x5000]  }
.LBB2_7:
0x65: {  	p0 =	sne.s32 s18, $0x9C0;
	v3 =	vld [tilespmem:s17+$0x5280];
	_ =	sdelay $0x2  }
.Ltmp2:
0x66: {  	(pc) =	sbr.rel @p0 .LBB2_7-.Ltmp2, $4  }
0x67: {  	_ = 	snop  }
0x68: {  	v3 =	vadd.f32 v2, v3  }
0x69: {  	s19 =	sshra.s32 s18, $0x2  }
0x6a: {  	s18 =	sadd.s32 $0x40, s18;
	v2 =	vld [tilespmem:s19+$0x5000];
	[tilespmem:s17+$0x5280] =	vst v3;
	s17 =	smov.u32 s19  }
0x6b: {  	v3 =	vld [tilespmem:s17+$0x5280]  }
0x6c: {  	s16 =	sadd.s32 $0x1, s16  }
0x6d: {  	p0 =	sne.s32 s16, $0x10  }
.Ltmp3:
0x6e: {  	_ = 	snop;
	(pc) =	sbr.rel @p0 .LBB2_6-.Ltmp3, $3  }
0x6f: {  	_ = 	snop  }
0x70: {  	v2 =	vadd.f32 v2, v3;
	_ =	sdelay $0x1  }
0x71: {  	[tilespmem:s17+$0x5280] =	vst v2  }
0x72: {  	s15 =	sadd.s32 $0x1, s15  }
0x73: {  	p0 =	sne.s32 s15, s7  }
.Ltmp4:
0x74: {  	_ = 	snop;
	(pc) =	sbr.rel @p0 .LBB2_1-.Ltmp4, $4  }
0x75: {  	[hbm4b:s6+s10] =	stream.strided.scatter [tilespmem:s14], [sflag:$0x1], $0x280, s13, s10, $0x38;
	[tilespmem:$0x7D00] =	vst v63  }
0x76: {  	_ =	swait.ge [sflag:s8], $0x280  }
0x77: {  	[sflag:s8] =	ssyncset.done $0x0  }
0x78: {  	[sflag:s8] =	ssyncadd.s32 $0xFFFFFD80  }
0x79: {  	_ =	sfence.sel $0x180000  }
0x7a: {  	[bflag:$0x0] =	sbarrier.arrive $0xFFFF  }
0x7b: {  	p0 =	sne.s32 s0, $0x0;
	_ =	strace $0x90000047  }
0x7c: {  	s0 =	sadd.s32 @!p0 $0x100000, s1;
	[bflag:$0x2] =	sbarrier.arrive $0xFFFF  }
0x7d: {  	[sflag:s0] =	ssyncadd.tile.s32 @!p0 $0x1;
	_ =	shalt  }
.Lfunc_end2:
_tile_overlayer_lowered:
.L_overlay_start_2:
0x7e: {  	(tag) =	ssettag $0x2  }
0x7f: {  	s0 =	rddreg [dreg:$0x0];
	s2 =	stileid.u32  }
0x80: {  	s1 =	rddreg [dreg:$0x1];
	p0 =	sne.s32 s2, $0x0  }
0x81: {  	s3 =	rddreg [dreg:$0x2];
	[bflag:$0x3] =	sbarrier.arrive $0xFFFF;
	s2 =	simm.s32 @!p0 $0x1C01  }
0x82: {  	[timem:s3], [sflag:s2] =	dma.local @!p0 [hbm:s0], s1  }
0x83: {  	s0 =	simm.s32 @!p0 $0x1  }
0x84: {  	_ =	swait.ge @!p0 [sflag:s0], s1  }
0x85: {  	s1 =	ssub.s32 @!p0 $0x0, s1;
	[sflag:s0] =	ssyncset.done @!p0 $0x0  }
0x86: {  	[sflag:s0] =	ssyncadd.s32 @!p0 s1  }
0x87: {  	[bflag:$0x3] =	sbarrier.arrive $0xFFFF  }
0x88: {  	_ =	shalt  }

</sc_bundles>
